<compile_context>
chip_gen: v7x
topology: tpu7x:2x2x1
jax: 0.10.2.dev20260603
libtpu: 0.0.44.dev20260713+nightly
codegen_flags: <defaults>
</compile_context>

<pallas_src>
import functools

import jax
import jax.numpy as jnp
from jax import lax
from jax.experimental import pallas as pl
from jax.experimental.pallas import tpu as pltpu
from jax.experimental.pallas import tpu_sc as plsc

_NUM_CORES = 2
_NUM_SUBCORES = 16
_NW = _NUM_CORES * _NUM_SUBCORES
_CHUNK = 32
_NBUF = 5


@functools.lru_cache(maxsize=None)
def _build_embed(rows, cols, vocab, d_model):
    mesh = plsc.VectorSubcoreMesh(core_axis_name="c", subcore_axis_name="s")
    b_per_w = rows * cols // _NW
    n_chunks = b_per_w // _CHUNK
    w_per_row = cols // b_per_w

    @functools.partial(
        pl.kernel,
        mesh=mesh,
        out_type=jax.ShapeDtypeStruct((rows, cols, d_model), jnp.float32),
        scratch_types=(
            [pltpu.VMEM((b_per_w,), jnp.int32)]
            + [pltpu.VMEM((_CHUNK, d_model), jnp.float32) for _ in range(_NBUF)]
            + [pltpu.SemaphoreType.DMA for _ in range(2 * _NBUF)]
        ),
    )
    def embed(idx_hbm, table_hbm, out_hbm, idx_v, *rest):
        bufs = rest[:_NBUF]
        gsems = rest[_NBUF:2 * _NBUF]
        wsems = rest[2 * _NBUF:]
        wid = lax.axis_index("s") * _NUM_CORES + lax.axis_index("c")
        row = wid // w_per_row
        col0 = (wid % w_per_row) * b_per_w

        pltpu.sync_copy(idx_hbm.at[row, pl.ds(col0, b_per_w)], idx_v)

        def start_gather(j):
            return pltpu.async_copy(
                table_hbm.at[idx_v.at[pl.ds(j * _CHUNK, _CHUNK)]],
                bufs[j % _NBUF], gsems[j % _NBUF])

        def start_write(j):
            return pltpu.async_copy(
                bufs[j % _NBUF],
                out_hbm.at[row, pl.ds(col0 + j * _CHUNK, _CHUNK)],
                wsems[j % _NBUF])

        gathers = [None] * n_chunks
        writes = [None] * n_chunks
        for j in range(min(_NBUF - 1, n_chunks)):
            gathers[j] = start_gather(j)
        for j in range(n_chunks):
            nxt = j + _NBUF - 1
            if nxt < n_chunks:
                if nxt - _NBUF >= 0:
                    writes[nxt - _NBUF].wait()
                gathers[nxt] = start_gather(nxt)
            gathers[j].wait()
            writes[j] = start_write(j)
        for j in range(max(0, n_chunks - _NBUF), n_chunks):
            writes[j].wait()

    return embed


def kernel(tokens, W_E):
    rows, cols = tokens.shape
    assert (rows * cols) % (_NW * _CHUNK) == 0 and cols % (rows * cols // _NW) == 0
    tokens = tokens.astype(jnp.int32)
    return _build_embed(rows, cols, W_E.shape[0], W_E.shape[1])(tokens, W_E)

# --- scband reference (transcript-rebuilt; emitter-appended) ---
"""Pipeline reference for scband-embed-67181878444838 (READ-ONLY COPY).

The authoritative reference and input builder live on the scoring server;
editing this copy changes nothing except your own understanding.
"""

import jax, jax.numpy as jnp
import numpy as np

D_VOCAB = 100000
D_MODEL = 768
INIT_RANGE = 0.02

def setup_inputs(seed: int = 0) -> dict:
    key = jax.random.key(seed)
    k_tok, k_we = jax.random.split(key)
    tokens = jax.random.randint(k_tok, (4, 4096), 0, D_VOCAB, dtype=jnp.int64 if jax.config.jax_enable_x64 else jnp.int32)
    W_E = jax.random.normal(k_we, (D_VOCAB, D_MODEL), dtype=jnp.float32) * INIT_RANGE
    return {"tokens": tokens, "W_E": W_E}

def reference(tokens, W_E):
    # Faithful translation of Embed.forward: embed = self.W_E[tokens, :]
    embed = jnp.take(W_E, tokens, axis=0)
    return embed

if __name__ == "__main__":
    import jax
    _d = setup_inputs()
    print(jax.jit(kernel)(*tuple(_d.values())))

</pallas_src>

<mosaic_0001>
#map = affine_map<(d0, d1) -> (0, 0)>
#map1 = affine_map<(d0, d1) -> (0, 0, 0)>
module attributes {stable_mosaic.version = 14 : i64} {
  func.func @embed(%arg0: i32, %arg1: i32, %arg2: memref<4x4096xi32, #tpu.memory_space<hbm>>, %arg3: memref<100000x768xf32, #tpu.memory_space<hbm>>, %arg4: memref<4x4096x768xf32, #tpu.memory_space<hbm>>, %arg5: memref<512xi32, #tpu.memory_space<vmem>>, %arg6: memref<32x768xf32, #tpu.memory_space<vmem>>, %arg7: memref<32x768xf32, #tpu.memory_space<vmem>>, %arg8: memref<32x768xf32, #tpu.memory_space<vmem>>, %arg9: memref<32x768xf32, #tpu.memory_space<vmem>>, %arg10: memref<32x768xf32, #tpu.memory_space<vmem>>, %arg11: memref<!tpu.dma_semaphore, #tpu.memory_space<semaphore_mem>>, %arg12: memref<!tpu.dma_semaphore, #tpu.memory_space<semaphore_mem>>, %arg13: memref<!tpu.dma_semaphore, #tpu.memory_space<semaphore_mem>>, %arg14: memref<!tpu.dma_semaphore, #tpu.memory_space<semaphore_mem>>, %arg15: memref<!tpu.dma_semaphore, #tpu.memory_space<semaphore_mem>>, %arg16: memref<!tpu.dma_semaphore, #tpu.memory_space<semaphore_mem>>, %arg17: memref<!tpu.dma_semaphore, #tpu.memory_space<semaphore_mem>>, %arg18: memref<!tpu.dma_semaphore, #tpu.memory_space<semaphore_mem>>, %arg19: memref<!tpu.dma_semaphore, #tpu.memory_space<semaphore_mem>>, %arg20: memref<!tpu.dma_semaphore, #tpu.memory_space<semaphore_mem>>) attributes {dimension_semantics = [#tpu.dimension_semantics<core_parallel>, #tpu.dimension_semantics<subcore_parallel>], iteration_bounds = array<i64: 2, 16>, scalar_prefetch = 0 : i64, scratch_operands = 16 : i64, tpu.core_type = #tpu.core_type<sc_vector_subcore>, window_params = [{transform_indices = #map}, {transform_indices = #map}, {transform_indices = #map1}]} {
    %mul3A = arith.constant 2 : i32
    %mul3A_0 = arith.muli %arg1, %mul3A : i32
    %add3A = arith.addi %mul3A_0, %arg0 : i32
    %jit3A = arith.constant 8 : i32
    %div3A = arith.divsi %add3A, %jit3A : i32
    %sign3A = arith.constant 0 : i32
    %sign3A_1 = arith.cmpi sgt, %add3A, %sign3A : i32
    %sign3A_2 = arith.extui %sign3A_1 : i1 to i32
    %sign3A_3 = arith.constant 0 : i32
    %sign3A_4 = arith.cmpi slt, %add3A, %sign3A_3 : i32
    %sign3A_5 = arith.extui %sign3A_4 : i1 to i32
    %sign3A_6 = arith.subi %sign3A_2, %sign3A_5 : i32
    %sign3A_7 = arith.constant 0 : i32
    %sign3A_8 = arith.cmpi sgt, %jit3A, %sign3A_7 : i32
    %sign3A_9 = arith.extui %sign3A_8 : i1 to i32
    %sign3A_10 = arith.constant 0 : i32
    %sign3A_11 = arith.cmpi slt, %jit3A, %sign3A_10 : i32
    %sign3A_12 = arith.extui %sign3A_11 : i1 to i32
    %sign3A_13 = arith.subi %sign3A_9, %sign3A_12 : i32
    %ne3A = arith.cmpi ne, %sign3A_6, %sign3A_13 : i32
    %rem3A = arith.remsi %add3A, %jit3A : i32
    %ne3A_14 = arith.constant 0 : i32
    %ne3A_15 = arith.cmpi ne, %rem3A, %ne3A_14 : i32
    %and3A = arith.andi %ne3A, %ne3A_15 : i1
    %sub3A = arith.constant 1 : i32
    %sub3A_16 = arith.subi %div3A, %sub3A : i32
    %select_n3A = arith.select %and3A, %sub3A_16, %div3A : i32
    %jit3A_17 = arith.constant 8 : i32
    %eq3A = arith.constant 0 : i32
    %eq3A_18 = arith.cmpi eq, %jit3A_17, %eq3A : i32
    %jit3A_19 = arith.constant 1 : i32
    %select_n3A_20 = arith.select %eq3A_18, %jit3A_19, %jit3A_17 : i32
    %rem3A_21 = arith.remsi %add3A, %select_n3A_20 : i32
    %ne3A_22 = arith.constant 0 : i32
    %ne3A_23 = arith.cmpi ne, %rem3A_21, %ne3A_22 : i32
    %lt3A = arith.constant 0 : i32
    %lt3A_24 = arith.cmpi slt, %rem3A_21, %lt3A : i32
    %lt3A_25 = arith.constant 0 : i32
    %lt3A_26 = arith.cmpi slt, %select_n3A_20, %lt3A_25 : i32
    %ne3A_27 = arith.xori %lt3A_24, %lt3A_26 : i1
    %and3A_28 = arith.andi %ne3A_27, %ne3A_23 : i1
    %add3A_29 = arith.addi %rem3A_21, %select_n3A_20 : i32
    %select_n3A_30 = arith.select %and3A_28, %add3A_29, %rem3A_21 : i32
    %mul3A_31 = arith.constant 512 : i32
    %mul3A_32 = arith.muli %select_n3A_30, %mul3A_31 : i32
    "tpu.region"() ({
      %run_scoped3A = tpu.sem_alloc : memref<!tpu.dma_semaphore, #tpu.memory_space<semaphore_mem>>
      %dma_start3A_415 = tpu.memref_slice %arg2[%select_n3A, %mul3A_32] : memref<4x4096xi32, #tpu.memory_space<hbm>> -> memref<1x512xi32, #tpu.memory_space<hbm>>
      %dma_start3A_416 = tpu.memref_squeeze %dma_start3A_415 : memref<1x512xi32, #tpu.memory_space<hbm>> -> memref<512xi32, #tpu.memory_space<hbm>>
      %dma_start3A_417 = tpu.memref_slice %arg2[%select_n3A, %mul3A_32] : memref<4x4096xi32, #tpu.memory_space<hbm>> -> memref<1x512xi32, #tpu.memory_space<hbm>>
      %dma_start3A_418 = tpu.memref_squeeze %dma_start3A_417 : memref<1x512xi32, #tpu.memory_space<hbm>> -> memref<512xi32, #tpu.memory_space<hbm>>
      tpu.enqueue_dma source(%dma_start3A_418 : memref<512xi32, #tpu.memory_space<hbm>>) target(%arg5 : memref<512xi32, #tpu.memory_space<vmem>>) target_semaphore(%run_scoped3A : memref<!tpu.dma_semaphore, #tpu.memory_space<semaphore_mem>>)
      %dma_wait3A_419 = tpu.memref_slice %arg2[%select_n3A, %mul3A_32] : memref<4x4096xi32, #tpu.memory_space<hbm>> -> memref<1x512xi32, #tpu.memory_space<hbm>>
      %dma_wait3A_420 = tpu.memref_squeeze %dma_wait3A_419 : memref<1x512xi32, #tpu.memory_space<hbm>> -> memref<512xi32, #tpu.memory_space<hbm>>
      %dma_wait3A_421 = tpu.memref_slice %arg2[%select_n3A, %mul3A_32] : memref<4x4096xi32, #tpu.memory_space<hbm>> -> memref<1x512xi32, #tpu.memory_space<hbm>>
      %dma_wait3A_422 = tpu.memref_squeeze %dma_wait3A_421 : memref<1x512xi32, #tpu.memory_space<hbm>> -> memref<512xi32, #tpu.memory_space<hbm>>
      tpu.wait_dma2 semaphore(%run_scoped3A : memref<!tpu.dma_semaphore, #tpu.memory_space<semaphore_mem>>) src(%dma_wait3A_422 : memref<512xi32, #tpu.memory_space<hbm>>) dst(%arg5 : memref<512xi32, #tpu.memory_space<vmem>>)
      tpu.yield
    }) : () -> ()
    %dma_start3A = arith.constant 0 : i32
    %dma_start3A_33 = tpu.memref_slice %arg5[%dma_start3A] : memref<512xi32, #tpu.memory_space<vmem>> -> memref<32xi32, #tpu.memory_space<vmem>>
    %dma_start3A_34 = arith.constant 0 : i32
    %dma_start3A_35 = arith.constant 0 : i32
    %dma_start3A_36 = tpu.memref_slice %arg3[%dma_start3A_34, %dma_start3A_35] : memref<100000x768xf32, #tpu.memory_space<hbm>> -> memref<100000x768xf32, #tpu.memory_space<hbm>>
    tpu.enqueue_indirect_dma source(%dma_start3A_36 : memref<100000x768xf32, #tpu.memory_space<hbm>>) target(%arg6 : memref<32x768xf32, #tpu.memory_space<vmem>>) offsets(%dma_start3A_33 : memref<32xi32, #tpu.memory_space<vmem>>) semaphore(%arg11 : memref<!tpu.dma_semaphore, #tpu.memory_space<semaphore_mem>>)
    %dma_start3A_37 = arith.constant 32 : i32
    %dma_start3A_38 = tpu.memref_slice %arg5[%dma_start3A_37] : memref<512xi32, #tpu.memory_space<vmem>> -> memref<32xi32, #tpu.memory_space<vmem>>
    %dma_start3A_39 = arith.constant 0 : i32
    %dma_start3A_40 = arith.constant 0 : i32
    %dma_start3A_41 = tpu.memref_slice %arg3[%dma_start3A_39, %dma_start3A_40] : memref<100000x768xf32, #tpu.memory_space<hbm>> -> memref<100000x768xf32, #tpu.memory_space<hbm>>
    tpu.enqueue_indirect_dma source(%dma_start3A_41 : memref<100000x768xf32, #tpu.memory_space<hbm>>) target(%arg7 : memref<32x768xf32, #tpu.memory_space<vmem>>) offsets(%dma_start3A_38 : memref<32xi32, #tpu.memory_space<vmem>>) semaphore(%arg12 : memref<!tpu.dma_semaphore, #tpu.memory_space<semaphore_mem>>)
    %dma_start3A_42 = arith.constant 64 : i32
    %dma_start3A_43 = tpu.memref_slice %arg5[%dma_start3A_42] : memref<512xi32, #tpu.memory_space<vmem>> -> memref<32xi32, #tpu.memory_space<vmem>>
    %dma_start3A_44 = arith.constant 0 : i32
    %dma_start3A_45 = arith.constant 0 : i32
    %dma_start3A_46 = tpu.memref_slice %arg3[%dma_start3A_44, %dma_start3A_45] : memref<100000x768xf32, #tpu.memory_space<hbm>> -> memref<100000x768xf32, #tpu.memory_space<hbm>>
    tpu.enqueue_indirect_dma source(%dma_start3A_46 : memref<100000x768xf32, #tpu.memory_space<hbm>>) target(%arg8 : memref<32x768xf32, #tpu.memory_space<vmem>>) offsets(%dma_start3A_43 : memref<32xi32, #tpu.memory_space<vmem>>) semaphore(%arg13 : memref<!tpu.dma_semaphore, #tpu.memory_space<semaphore_mem>>)
    %dma_start3A_47 = arith.constant 96 : i32
    %dma_start3A_48 = tpu.memref_slice %arg5[%dma_start3A_47] : memref<512xi32, #tpu.memory_space<vmem>> -> memref<32xi32, #tpu.memory_space<vmem>>
    %dma_start3A_49 = arith.constant 0 : i32
    %dma_start3A_50 = arith.constant 0 : i32
    %dma_start3A_51 = tpu.memref_slice %arg3[%dma_start3A_49, %dma_start3A_50] : memref<100000x768xf32, #tpu.memory_space<hbm>> -> memref<100000x768xf32, #tpu.memory_space<hbm>>
    tpu.enqueue_indirect_dma source(%dma_start3A_51 : memref<100000x768xf32, #tpu.memory_space<hbm>>) target(%arg9 : memref<32x768xf32, #tpu.memory_space<vmem>>) offsets(%dma_start3A_48 : memref<32xi32, #tpu.memory_space<vmem>>) semaphore(%arg14 : memref<!tpu.dma_semaphore, #tpu.memory_space<semaphore_mem>>)
    %dma_start3A_52 = arith.constant 128 : i32
    %dma_start3A_53 = tpu.memref_slice %arg5[%dma_start3A_52] : memref<512xi32, #tpu.memory_space<vmem>> -> memref<32xi32, #tpu.memory_space<vmem>>
    %dma_start3A_54 = arith.constant 0 : i32
    %dma_start3A_55 = arith.constant 0 : i32
    %dma_start3A_56 = tpu.memref_slice %arg3[%dma_start3A_54, %dma_start3A_55] : memref<100000x768xf32, #tpu.memory_space<hbm>> -> memref<100000x768xf32, #tpu.memory_space<hbm>>
    tpu.enqueue_indirect_dma source(%dma_start3A_56 : memref<100000x768xf32, #tpu.memory_space<hbm>>) target(%arg10 : memref<32x768xf32, #tpu.memory_space<vmem>>) offsets(%dma_start3A_53 : memref<32xi32, #tpu.memory_space<vmem>>) semaphore(%arg15 : memref<!tpu.dma_semaphore, #tpu.memory_space<semaphore_mem>>)
    %dma_wait3A = arith.constant 0 : i32
    %dma_wait3A_57 = tpu.memref_slice %arg5[%dma_wait3A] : memref<512xi32, #tpu.memory_space<vmem>> -> memref<32xi32, #tpu.memory_space<vmem>>
    %dma_wait3A_58 = arith.constant 0 : i32
    %dma_wait3A_59 = arith.constant 0 : i32
    %dma_wait3A_60 = tpu.memref_slice %arg3[%dma_wait3A_58, %dma_wait3A_59] : memref<100000x768xf32, #tpu.memory_space<hbm>> -> memref<100000x768xf32, #tpu.memory_space<hbm>>
    tpu.wait_indirect_dma semaphore(%arg11 : memref<!tpu.dma_semaphore, #tpu.memory_space<semaphore_mem>>) src(%dma_wait3A_60 : memref<100000x768xf32, #tpu.memory_space<hbm>>) dst(%arg6 : memref<32x768xf32, #tpu.memory_space<vmem>>)
    %add3A_61 = arith.constant 0 : i32
    %add3A_62 = arith.addi %mul3A_32, %add3A_61 : i32
    %dma_start3A_63 = arith.constant 0 : i32
    %dma_start3A_64 = tpu.memref_slice %arg4[%select_n3A, %add3A_62, %dma_start3A_63] : memref<4x4096x768xf32, #tpu.memory_space<hbm>> -> memref<1x32x768xf32, #tpu.memory_space<hbm>>
    %dma_start3A_65 = tpu.memref_squeeze %dma_start3A_64 : memref<1x32x768xf32, #tpu.memory_space<hbm>> -> memref<32x768xf32, #tpu.memory_space<hbm>>
    %dma_start3A_66 = arith.constant 0 : i32
    %dma_start3A_67 = tpu.memref_slice %arg4[%select_n3A, %add3A_62, %dma_start3A_66] : memref<4x4096x768xf32, #tpu.memory_space<hbm>> -> memref<1x32x768xf32, #tpu.memory_space<hbm>>
    %dma_start3A_68 = tpu.memref_squeeze %dma_start3A_67 : memref<1x32x768xf32, #tpu.memory_space<hbm>> -> memref<32x768xf32, #tpu.memory_space<hbm>>
    tpu.enqueue_dma source(%arg6 : memref<32x768xf32, #tpu.memory_space<vmem>>) target(%dma_start3A_68 : memref<32x768xf32, #tpu.memory_space<hbm>>) target_semaphore(%arg16 : memref<!tpu.dma_semaphore, #tpu.memory_space<semaphore_mem>>)
    %dma_wait3A_69 = arith.constant 0 : i32
    %dma_wait3A_70 = tpu.memref_slice %arg4[%select_n3A, %add3A_62, %dma_wait3A_69] : memref<4x4096x768xf32, #tpu.memory_space<hbm>> -> memref<1x32x768xf32, #tpu.memory_space<hbm>>
    %dma_wait3A_71 = tpu.memref_squeeze %dma_wait3A_70 : memref<1x32x768xf32, #tpu.memory_space<hbm>> -> memref<32x768xf32, #tpu.memory_space<hbm>>
    %dma_wait3A_72 = arith.constant 0 : i32
    %dma_wait3A_73 = tpu.memref_slice %arg4[%select_n3A, %add3A_62, %dma_wait3A_72] : memref<4x4096x768xf32, #tpu.memory_space<hbm>> -> memref<1x32x768xf32, #tpu.memory_space<hbm>>
    %dma_wait3A_74 = tpu.memref_squeeze %dma_wait3A_73 : memref<1x32x768xf32, #tpu.memory_space<hbm>> -> memref<32x768xf32, #tpu.memory_space<hbm>>
    tpu.wait_dma2 semaphore(%arg16 : memref<!tpu.dma_semaphore, #tpu.memory_space<semaphore_mem>>) src(%arg6 : memref<32x768xf32, #tpu.memory_space<vmem>>) dst(%dma_wait3A_74 : memref<32x768xf32, #tpu.memory_space<hbm>>)
    %dma_start3A_75 = arith.constant 160 : i32
    %dma_start3A_76 = tpu.memref_slice %arg5[%dma_start3A_75] : memref<512xi32, #tpu.memory_space<vmem>> -> memref<32xi32, #tpu.memory_space<vmem>>
    %dma_start3A_77 = arith.constant 0 : i32
    %dma_start3A_78 = arith.constant 0 : i32
    %dma_start3A_79 = tpu.memref_slice %arg3[%dma_start3A_77, %dma_start3A_78] : memref<100000x768xf32, #tpu.memory_space<hbm>> -> memref<100000x768xf32, #tpu.memory_space<hbm>>
    tpu.enqueue_indirect_dma source(%dma_start3A_79 : memref<100000x768xf32, #tpu.memory_space<hbm>>) target(%arg6 : memref<32x768xf32, #tpu.memory_space<vmem>>) offsets(%dma_start3A_76 : memref<32xi32, #tpu.memory_space<vmem>>) semaphore(%arg11 : memref<!tpu.dma_semaphore, #tpu.memory_space<semaphore_mem>>)
    %dma_wait3A_80 = arith.constant 32 : i32
    %dma_wait3A_81 = tpu.memref_slice %arg5[%dma_wait3A_80] : memref<512xi32, #tpu.memory_space<vmem>> -> memref<32xi32, #tpu.memory_space<vmem>>
    %dma_wait3A_82 = arith.constant 0 : i32
    %dma_wait3A_83 = arith.constant 0 : i32
    %dma_wait3A_84 = tpu.memref_slice %arg3[%dma_wait3A_82, %dma_wait3A_83] : memref<100000x768xf32, #tpu.memory_space<hbm>> -> memref<100000x768xf32, #tpu.memory_space<hbm>>
    tpu.wait_indirect_dma semaphore(%arg12 : memref<!tpu.dma_semaphore, #tpu.memory_space<semaphore_mem>>) src(%dma_wait3A_84 : memref<100000x768xf32, #tpu.memory_space<hbm>>) dst(%arg7 : memref<32x768xf32, #tpu.memory_space<vmem>>)
    %add3A_85 = arith.constant 32 : i32
    %add3A_86 = arith.addi %mul3A_32, %add3A_85 : i32
    %dma_start3A_87 = arith.constant 0 : i32
    %dma_start3A_88 = tpu.memref_slice %arg4[%select_n3A, %add3A_86, %dma_start3A_87] : memref<4x4096x768xf32, #tpu.memory_space<hbm>> -> memref<1x32x768xf32, #tpu.memory_space<hbm>>
    %dma_start3A_89 = tpu.memref_squeeze %dma_start3A_88 : memref<1x32x768xf32, #tpu.memory_space<hbm>> -> memref<32x768xf32, #tpu.memory_space<hbm>>
    %dma_start3A_90 = arith.constant 0 : i32
    %dma_start3A_91 = tpu.memref_slice %arg4[%select_n3A, %add3A_86, %dma_start3A_90] : memref<4x4096x768xf32, #tpu.memory_space<hbm>> -> memref<1x32x768xf32, #tpu.memory_space<hbm>>
    %dma_start3A_92 = tpu.memref_squeeze %dma_start3A_91 : memref<1x32x768xf32, #tpu.memory_space<hbm>> -> memref<32x768xf32, #tpu.memory_space<hbm>>
    tpu.enqueue_dma source(%arg7 : memref<32x768xf32, #tpu.memory_space<vmem>>) target(%dma_start3A_92 : memref<32x768xf32, #tpu.memory_space<hbm>>) target_semaphore(%arg17 : memref<!tpu.dma_semaphore, #tpu.memory_space<semaphore_mem>>)
    %dma_wait3A_93 = arith.constant 0 : i32
    %dma_wait3A_94 = tpu.memref_slice %arg4[%select_n3A, %add3A_86, %dma_wait3A_93] : memref<4x4096x768xf32, #tpu.memory_space<hbm>> -> memref<1x32x768xf32, #tpu.memory_space<hbm>>
    %dma_wait3A_95 = tpu.memref_squeeze %dma_wait3A_94 : memref<1x32x768xf32, #tpu.memory_space<hbm>> -> memref<32x768xf32, #tpu.memory_space<hbm>>
    %dma_wait3A_96 = arith.constant 0 : i32
    %dma_wait3A_97 = tpu.memref_slice %arg4[%select_n3A, %add3A_86, %dma_wait3A_96] : memref<4x4096x768xf32, #tpu.memory_space<hbm>> -> memref<1x32x768xf32, #tpu.memory_space<hbm>>
    %dma_wait3A_98 = tpu.memref_squeeze %dma_wait3A_97 : memref<1x32x768xf32, #tpu.memory_space<hbm>> -> memref<32x768xf32, #tpu.memory_space<hbm>>
    tpu.wait_dma2 semaphore(%arg17 : memref<!tpu.dma_semaphore, #tpu.memory_space<semaphore_mem>>) src(%arg7 : memref<32x768xf32, #tpu.memory_space<vmem>>) dst(%dma_wait3A_98 : memref<32x768xf32, #tpu.memory_space<hbm>>)
    %dma_start3A_99 = arith.constant 192 : i32
    %dma_start3A_100 = tpu.memref_slice %arg5[%dma_start3A_99] : memref<512xi32, #tpu.memory_space<vmem>> -> memref<32xi32, #tpu.memory_space<vmem>>
    %dma_start3A_101 = arith.constant 0 : i32
    %dma_start3A_102 = arith.constant 0 : i32
    %dma_start3A_103 = tpu.memref_slice %arg3[%dma_start3A_101, %dma_start3A_102] : memref<100000x768xf32, #tpu.memory_space<hbm>> -> memref<100000x768xf32, #tpu.memory_space<hbm>>
    tpu.enqueue_indirect_dma source(%dma_start3A_103 : memref<100000x768xf32, #tpu.memory_space<hbm>>) target(%arg7 : memref<32x768xf32, #tpu.memory_space<vmem>>) offsets(%dma_start3A_100 : memref<32xi32, #tpu.memory_space<vmem>>) semaphore(%arg12 : memref<!tpu.dma_semaphore, #tpu.memory_space<semaphore_mem>>)
    %dma_wait3A_104 = arith.constant 64 : i32
    %dma_wait3A_105 = tpu.memref_slice %arg5[%dma_wait3A_104] : memref<512xi32, #tpu.memory_space<vmem>> -> memref<32xi32, #tpu.memory_space<vmem>>
    %dma_wait3A_106 = arith.constant 0 : i32
    %dma_wait3A_107 = arith.constant 0 : i32
    %dma_wait3A_108 = tpu.memref_slice %arg3[%dma_wait3A_106, %dma_wait3A_107] : memref<100000x768xf32, #tpu.memory_space<hbm>> -> memref<100000x768xf32, #tpu.memory_space<hbm>>
    tpu.wait_indirect_dma semaphore(%arg13 : memref<!tpu.dma_semaphore, #tpu.memory_space<semaphore_mem>>) src(%dma_wait3A_108 : memref<100000x768xf32, #tpu.memory_space<hbm>>) dst(%arg8 : memref<32x768xf32, #tpu.memory_space<vmem>>)
    %add3A_109 = arith.constant 64 : i32
    %add3A_110 = arith.addi %mul3A_32, %add3A_109 : i32
    %dma_start3A_111 = arith.constant 0 : i32
    %dma_start3A_112 = tpu.memref_slice %arg4[%select_n3A, %add3A_110, %dma_start3A_111] : memref<4x4096x768xf32, #tpu.memory_space<hbm>> -> memref<1x32x768xf32, #tpu.memory_space<hbm>>
    %dma_start3A_113 = tpu.memref_squeeze %dma_start3A_112 : memref<1x32x768xf32, #tpu.memory_space<hbm>> -> memref<32x768xf32, #tpu.memory_space<hbm>>
    %dma_start3A_114 = arith.constant 0 : i32
    %dma_start3A_115 = tpu.memref_slice %arg4[%select_n3A, %add3A_110, %dma_start3A_114] : memref<4x4096x768xf32, #tpu.memory_space<hbm>> -> memref<1x32x768xf32, #tpu.memory_space<hbm>>
    %dma_start3A_116 = tpu.memref_squeeze %dma_start3A_115 : memref<1x32x768xf32, #tpu.memory_space<hbm>> -> memref<32x768xf32, #tpu.memory_space<hbm>>
    tpu.enqueue_dma source(%arg8 : memref<32x768xf32, #tpu.memory_space<vmem>>) target(%dma_start3A_116 : memref<32x768xf32, #tpu.memory_space<hbm>>) target_semaphore(%arg18 : memref<!tpu.dma_semaphore, #tpu.memory_space<semaphore_mem>>)
    %dma_wait3A_117 = arith.constant 0 : i32
    %dma_wait3A_118 = tpu.memref_slice %arg4[%select_n3A, %add3A_110, %dma_wait3A_117] : memref<4x4096x768xf32, #tpu.memory_space<hbm>> -> memref<1x32x768xf32, #tpu.memory_space<hbm>>
    %dma_wait3A_119 = tpu.memref_squeeze %dma_wait3A_118 : memref<1x32x768xf32, #tpu.memory_space<hbm>> -> memref<32x768xf32, #tpu.memory_space<hbm>>
    %dma_wait3A_120 = arith.constant 0 : i32
    %dma_wait3A_121 = tpu.memref_slice %arg4[%select_n3A, %add3A_110, %dma_wait3A_120] : memref<4x4096x768xf32, #tpu.memory_space<hbm>> -> memref<1x32x768xf32, #tpu.memory_space<hbm>>
    %dma_wait3A_122 = tpu.memref_squeeze %dma_wait3A_121 : memref<1x32x768xf32, #tpu.memory_space<hbm>> -> memref<32x768xf32, #tpu.memory_space<hbm>>
    tpu.wait_dma2 semaphore(%arg18 : memref<!tpu.dma_semaphore, #tpu.memory_space<semaphore_mem>>) src(%arg8 : memref<32x768xf32, #tpu.memory_space<vmem>>) dst(%dma_wait3A_122 : memref<32x768xf32, #tpu.memory_space<hbm>>)
    %dma_start3A_123 = arith.constant 224 : i32
    %dma_start3A_124 = tpu.memref_slice %arg5[%dma_start3A_123] : memref<512xi32, #tpu.memory_space<vmem>> -> memref<32xi32, #tpu.memory_space<vmem>>
    %dma_start3A_125 = arith.constant 0 : i32
    %dma_start3A_126 = arith.constant 0 : i32
    %dma_start3A_127 = tpu.memref_slice %arg3[%dma_start3A_125, %dma_start3A_126] : memref<100000x768xf32, #tpu.memory_space<hbm>> -> memref<100000x768xf32, #tpu.memory_space<hbm>>
    tpu.enqueue_indirect_dma source(%dma_start3A_127 : memref<100000x768xf32, #tpu.memory_space<hbm>>) target(%arg8 : memref<32x768xf32, #tpu.memory_space<vmem>>) offsets(%dma_start3A_124 : memref<32xi32, #tpu.memory_space<vmem>>) semaphore(%arg13 : memref<!tpu.dma_semaphore, #tpu.memory_space<semaphore_mem>>)
    %dma_wait3A_128 = arith.constant 96 : i32
    %dma_wait3A_129 = tpu.memref_slice %arg5[%dma_wait3A_128] : memref<512xi32, #tpu.memory_space<vmem>> -> memref<32xi32, #tpu.memory_space<vmem>>
    %dma_wait3A_130 = arith.constant 0 : i32
    %dma_wait3A_131 = arith.constant 0 : i32
    %dma_wait3A_132 = tpu.memref_slice %arg3[%dma_wait3A_130, %dma_wait3A_131] : memref<100000x768xf32, #tpu.memory_space<hbm>> -> memref<100000x768xf32, #tpu.memory_space<hbm>>
    tpu.wait_indirect_dma semaphore(%arg14 : memref<!tpu.dma_semaphore, #tpu.memory_space<semaphore_mem>>) src(%dma_wait3A_132 : memref<100000x768xf32, #tpu.memory_space<hbm>>) dst(%arg9 : memref<32x768xf32, #tpu.memory_space<vmem>>)
    %add3A_133 = arith.constant 96 : i32
    %add3A_134 = arith.addi %mul3A_32, %add3A_133 : i32
    %dma_start3A_135 = arith.constant 0 : i32
    %dma_start3A_136 = tpu.memref_slice %arg4[%select_n3A, %add3A_134, %dma_start3A_135] : memref<4x4096x768xf32, #tpu.memory_space<hbm>> -> memref<1x32x768xf32, #tpu.memory_space<hbm>>
    %dma_start3A_137 = tpu.memref_squeeze %dma_start3A_136 : memref<1x32x768xf32, #tpu.memory_space<hbm>> -> memref<32x768xf32, #tpu.memory_space<hbm>>
    %dma_start3A_138 = arith.constant 0 : i32
    %dma_start3A_139 = tpu.memref_slice %arg4[%select_n3A, %add3A_134, %dma_start3A_138] : memref<4x4096x768xf32, #tpu.memory_space<hbm>> -> memref<1x32x768xf32, #tpu.memory_space<hbm>>
    %dma_start3A_140 = tpu.memref_squeeze %dma_start3A_139 : memref<1x32x768xf32, #tpu.memory_space<hbm>> -> memref<32x768xf32, #tpu.memory_space<hbm>>
    tpu.enqueue_dma source(%arg9 : memref<32x768xf32, #tpu.memory_space<vmem>>) target(%dma_start3A_140 : memref<32x768xf32, #tpu.memory_space<hbm>>) target_semaphore(%arg19 : memref<!tpu.dma_semaphore, #tpu.memory_space<semaphore_mem>>)
    %dma_wait3A_141 = arith.constant 0 : i32
    %dma_wait3A_142 = tpu.memref_slice %arg4[%select_n3A, %add3A_134, %dma_wait3A_141] : memref<4x4096x768xf32, #tpu.memory_space<hbm>> -> memref<1x32x768xf32, #tpu.memory_space<hbm>>
    %dma_wait3A_143 = tpu.memref_squeeze %dma_wait3A_142 : memref<1x32x768xf32, #tpu.memory_space<hbm>> -> memref<32x768xf32, #tpu.memory_space<hbm>>
    %dma_wait3A_144 = arith.constant 0 : i32
    %dma_wait3A_145 = tpu.memref_slice %arg4[%select_n3A, %add3A_134, %dma_wait3A_144] : memref<4x4096x768xf32, #tpu.memory_space<hbm>> -> memref<1x32x768xf32, #tpu.memory_space<hbm>>
    %dma_wait3A_146 = tpu.memref_squeeze %dma_wait3A_145 : memref<1x32x768xf32, #tpu.memory_space<hbm>> -> memref<32x768xf32, #tpu.memory_space<hbm>>
    tpu.wait_dma2 semaphore(%arg19 : memref<!tpu.dma_semaphore, #tpu.memory_space<semaphore_mem>>) src(%arg9 : memref<32x768xf32, #tpu.memory_space<vmem>>) dst(%dma_wait3A_146 : memref<32x768xf32, #tpu.memory_space<hbm>>)
    %dma_start3A_147 = arith.constant 256 : i32
    %dma_start3A_148 = tpu.memref_slice %arg5[%dma_start3A_147] : memref<512xi32, #tpu.memory_space<vmem>> -> memref<32xi32, #tpu.memory_space<vmem>>
    %dma_start3A_149 = arith.constant 0 : i32
    %dma_start3A_150 = arith.constant 0 : i32
    %dma_start3A_151 = tpu.memref_slice %arg3[%dma_start3A_149, %dma_start3A_150] : memref<100000x768xf32, #tpu.memory_space<hbm>> -> memref<100000x768xf32, #tpu.memory_space<hbm>>
    tpu.enqueue_indirect_dma source(%dma_start3A_151 : memref<100000x768xf32, #tpu.memory_space<hbm>>) target(%arg9 : memref<32x768xf32, #tpu.memory_space<vmem>>) offsets(%dma_start3A_148 : memref<32xi32, #tpu.memory_space<vmem>>) semaphore(%arg14 : memref<!tpu.dma_semaphore, #tpu.memory_space<semaphore_mem>>)
    %dma_wait3A_152 = arith.constant 128 : i32
    %dma_wait3A_153 = tpu.memref_slice %arg5[%dma_wait3A_152] : memref<512xi32, #tpu.memory_space<vmem>> -> memref<32xi32, #tpu.memory_space<vmem>>
    %dma_wait3A_154 = arith.constant 0 : i32
    %dma_wait3A_155 = arith.constant 0 : i32
    %dma_wait3A_156 = tpu.memref_slice %arg3[%dma_wait3A_154, %dma_wait3A_155] : memref<100000x768xf32, #tpu.memory_space<hbm>> -> memref<100000x768xf32, #tpu.memory_space<hbm>>
    tpu.wait_indirect_dma semaphore(%arg15 : memref<!tpu.dma_semaphore, #tpu.memory_space<semaphore_mem>>) src(%dma_wait3A_156 : memref<100000x768xf32, #tpu.memory_space<hbm>>) dst(%arg10 : memref<32x768xf32, #tpu.memory_space<vmem>>)
    %add3A_157 = arith.constant 128 : i32
    %add3A_158 = arith.addi %mul3A_32, %add3A_157 : i32
    %dma_start3A_159 = arith.constant 0 : i32
    %dma_start3A_160 = tpu.memref_slice %arg4[%select_n3A, %add3A_158, %dma_start3A_159] : memref<4x4096x768xf32, #tpu.memory_space<hbm>> -> memref<1x32x768xf32, #tpu.memory_space<hbm>>
    %dma_start3A_161 = tpu.memref_squeeze %dma_start3A_160 : memref<1x32x768xf32, #tpu.memory_space<hbm>> -> memref<32x768xf32, #tpu.memory_space<hbm>>
    %dma_start3A_162 = arith.constant 0 : i32
    %dma_start3A_163 = tpu.memref_slice %arg4[%select_n3A, %add3A_158, %dma_start3A_162] : memref<4x4096x768xf32, #tpu.memory_space<hbm>> -> memref<1x32x768xf32, #tpu.memory_space<hbm>>
    %dma_start3A_164 = tpu.memref_squeeze %dma_start3A_163 : memref<1x32x768xf32, #tpu.memory_space<hbm>> -> memref<32x768xf32, #tpu.memory_space<hbm>>
    tpu.enqueue_dma source(%arg10 : memref<32x768xf32, #tpu.memory_space<vmem>>) target(%dma_start3A_164 : memref<32x768xf32, #tpu.memory_space<hbm>>) target_semaphore(%arg20 : memref<!tpu.dma_semaphore, #tpu.memory_space<semaphore_mem>>)
    %dma_wait3A_165 = arith.constant 0 : i32
    %dma_wait3A_166 = tpu.memref_slice %arg4[%select_n3A, %add3A_158, %dma_wait3A_165] : memref<4x4096x768xf32, #tpu.memory_space<hbm>> -> memref<1x32x768xf32, #tpu.memory_space<hbm>>
    %dma_wait3A_167 = tpu.memref_squeeze %dma_wait3A_166 : memref<1x32x768xf32, #tpu.memory_space<hbm>> -> memref<32x768xf32, #tpu.memory_space<hbm>>
    %dma_wait3A_168 = arith.constant 0 : i32
    %dma_wait3A_169 = tpu.memref_slice %arg4[%select_n3A, %add3A_158, %dma_wait3A_168] : memref<4x4096x768xf32, #tpu.memory_space<hbm>> -> memref<1x32x768xf32, #tpu.memory_space<hbm>>
    %dma_wait3A_170 = tpu.memref_squeeze %dma_wait3A_169 : memref<1x32x768xf32, #tpu.memory_space<hbm>> -> memref<32x768xf32, #tpu.memory_space<hbm>>
    tpu.wait_dma2 semaphore(%arg20 : memref<!tpu.dma_semaphore, #tpu.memory_space<semaphore_mem>>) src(%arg10 : memref<32x768xf32, #tpu.memory_space<vmem>>) dst(%dma_wait3A_170 : memref<32x768xf32, #tpu.memory_space<hbm>>)
    %dma_start3A_171 = arith.constant 288 : i32
    %dma_start3A_172 = tpu.memref_slice %arg5[%dma_start3A_171] : memref<512xi32, #tpu.memory_space<vmem>> -> memref<32xi32, #tpu.memory_space<vmem>>
    %dma_start3A_173 = arith.constant 0 : i32
    %dma_start3A_174 = arith.constant 0 : i32
    %dma_start3A_175 = tpu.memref_slice %arg3[%dma_start3A_173, %dma_start3A_174] : memref<100000x768xf32, #tpu.memory_space<hbm>> -> memref<100000x768xf32, #tpu.memory_space<hbm>>
    tpu.enqueue_indirect_dma source(%dma_start3A_175 : memref<100000x768xf32, #tpu.memory_space<hbm>>) target(%arg10 : memref<32x768xf32, #tpu.memory_space<vmem>>) offsets(%dma_start3A_172 : memref<32xi32, #tpu.memory_space<vmem>>) semaphore(%arg15 : memref<!tpu.dma_semaphore, #tpu.memory_space<semaphore_mem>>)
    %dma_wait3A_176 = arith.constant 160 : i32
    %dma_wait3A_177 = tpu.memref_slice %arg5[%dma_wait3A_176] : memref<512xi32, #tpu.memory_space<vmem>> -> memref<32xi32, #tpu.memory_space<vmem>>
    %dma_wait3A_178 = arith.constant 0 : i32
    %dma_wait3A_179 = arith.constant 0 : i32
    %dma_wait3A_180 = tpu.memref_slice %arg3[%dma_wait3A_178, %dma_wait3A_179] : memref<100000x768xf32, #tpu.memory_space<hbm>> -> memref<100000x768xf32, #tpu.memory_space<hbm>>
    tpu.wait_indirect_dma semaphore(%arg11 : memref<!tpu.dma_semaphore, #tpu.memory_space<semaphore_mem>>) src(%dma_wait3A_180 : memref<100000x768xf32, #tpu.memory_space<hbm>>) dst(%arg6 : memref<32x768xf32, #tpu.memory_space<vmem>>)
    %add3A_181 = arith.constant 160 : i32
    %add3A_182 = arith.addi %mul3A_32, %add3A_181 : i32
    %dma_start3A_183 = arith.constant 0 : i32
    %dma_start3A_184 = tpu.memref_slice %arg4[%select_n3A, %add3A_182, %dma_start3A_183] : memref<4x4096x768xf32, #tpu.memory_space<hbm>> -> memref<1x32x768xf32, #tpu.memory_space<hbm>>
    %dma_start3A_185 = tpu.memref_squeeze %dma_start3A_184 : memref<1x32x768xf32, #tpu.memory_space<hbm>> -> memref<32x768xf32, #tpu.memory_space<hbm>>
    %dma_start3A_186 = arith.constant 0 : i32
    %dma_start3A_187 = tpu.memref_slice %arg4[%select_n3A, %add3A_182, %dma_start3A_186] : memref<4x4096x768xf32, #tpu.memory_space<hbm>> -> memref<1x32x768xf32, #tpu.memory_space<hbm>>
    %dma_start3A_188 = tpu.memref_squeeze %dma_start3A_187 : memref<1x32x768xf32, #tpu.memory_space<hbm>> -> memref<32x768xf32, #tpu.memory_space<hbm>>
    tpu.enqueue_dma source(%arg6 : memref<32x768xf32, #tpu.memory_space<vmem>>) target(%dma_start3A_188 : memref<32x768xf32, #tpu.memory_space<hbm>>) target_semaphore(%arg16 : memref<!tpu.dma_semaphore, #tpu.memory_space<semaphore_mem>>)
    %dma_wait3A_189 = arith.constant 0 : i32
    %dma_wait3A_190 = tpu.memref_slice %arg4[%select_n3A, %add3A_182, %dma_wait3A_189] : memref<4x4096x768xf32, #tpu.memory_space<hbm>> -> memref<1x32x768xf32, #tpu.memory_space<hbm>>
    %dma_wait3A_191 = tpu.memref_squeeze %dma_wait3A_190 : memref<1x32x768xf32, #tpu.memory_space<hbm>> -> memref<32x768xf32, #tpu.memory_space<hbm>>
    %dma_wait3A_192 = arith.constant 0 : i32
    %dma_wait3A_193 = tpu.memref_slice %arg4[%select_n3A, %add3A_182, %dma_wait3A_192] : memref<4x4096x768xf32, #tpu.memory_space<hbm>> -> memref<1x32x768xf32, #tpu.memory_space<hbm>>
    %dma_wait3A_194 = tpu.memref_squeeze %dma_wait3A_193 : memref<1x32x768xf32, #tpu.memory_space<hbm>> -> memref<32x768xf32, #tpu.memory_space<hbm>>
    tpu.wait_dma2 semaphore(%arg16 : memref<!tpu.dma_semaphore, #tpu.memory_space<semaphore_mem>>) src(%arg6 : memref<32x768xf32, #tpu.memory_space<vmem>>) dst(%dma_wait3A_194 : memref<32x768xf32, #tpu.memory_space<hbm>>)
    %dma_start3A_195 = arith.constant 320 : i32
    %dma_start3A_196 = tpu.memref_slice %arg5[%dma_start3A_195] : memref<512xi32, #tpu.memory_space<vmem>> -> memref<32xi32, #tpu.memory_space<vmem>>
    %dma_start3A_197 = arith.constant 0 : i32
    %dma_start3A_198 = arith.constant 0 : i32
    %dma_start3A_199 = tpu.memref_slice %arg3[%dma_start3A_197, %dma_start3A_198] : memref<100000x768xf32, #tpu.memory_space<hbm>> -> memref<100000x768xf32, #tpu.memory_space<hbm>>
    tpu.enqueue_indirect_dma source(%dma_start3A_199 : memref<100000x768xf32, #tpu.memory_space<hbm>>) target(%arg6 : memref<32x768xf32, #tpu.memory_space<vmem>>) offsets(%dma_start3A_196 : memref<32xi32, #tpu.memory_space<vmem>>) semaphore(%arg11 : memref<!tpu.dma_semaphore, #tpu.memory_space<semaphore_mem>>)
    %dma_wait3A_200 = arith.constant 192 : i32
    %dma_wait3A_201 = tpu.memref_slice %arg5[%dma_wait3A_200] : memref<512xi32, #tpu.memory_space<vmem>> -> memref<32xi32, #tpu.memory_space<vmem>>
    %dma_wait3A_202 = arith.constant 0 : i32
    %dma_wait3A_203 = arith.constant 0 : i32
    %dma_wait3A_204 = tpu.memref_slice %arg3[%dma_wait3A_202, %dma_wait3A_203] : memref<100000x768xf32, #tpu.memory_space<hbm>> -> memref<100000x768xf32, #tpu.memory_space<hbm>>
    tpu.wait_indirect_dma semaphore(%arg12 : memref<!tpu.dma_semaphore, #tpu.memory_space<semaphore_mem>>) src(%dma_wait3A_204 : memref<100000x768xf32, #tpu.memory_space<hbm>>) dst(%arg7 : memref<32x768xf32, #tpu.memory_space<vmem>>)
    %add3A_205 = arith.constant 192 : i32
    %add3A_206 = arith.addi %mul3A_32, %add3A_205 : i32
    %dma_start3A_207 = arith.constant 0 : i32
    %dma_start3A_208 = tpu.memref_slice %arg4[%select_n3A, %add3A_206, %dma_start3A_207] : memref<4x4096x768xf32, #tpu.memory_space<hbm>> -> memref<1x32x768xf32, #tpu.memory_space<hbm>>
    %dma_start3A_209 = tpu.memref_squeeze %dma_start3A_208 : memref<1x32x768xf32, #tpu.memory_space<hbm>> -> memref<32x768xf32, #tpu.memory_space<hbm>>
    %dma_start3A_210 = arith.constant 0 : i32
    %dma_start3A_211 = tpu.memref_slice %arg4[%select_n3A, %add3A_206, %dma_start3A_210] : memref<4x4096x768xf32, #tpu.memory_space<hbm>> -> memref<1x32x768xf32, #tpu.memory_space<hbm>>
    %dma_start3A_212 = tpu.memref_squeeze %dma_start3A_211 : memref<1x32x768xf32, #tpu.memory_space<hbm>> -> memref<32x768xf32, #tpu.memory_space<hbm>>
    tpu.enqueue_dma source(%arg7 : memref<32x768xf32, #tpu.memory_space<vmem>>) target(%dma_start3A_212 : memref<32x768xf32, #tpu.memory_space<hbm>>) target_semaphore(%arg17 : memref<!tpu.dma_semaphore, #tpu.memory_space<semaphore_mem>>)
    %dma_wait3A_213 = arith.constant 0 : i32
    %dma_wait3A_214 = tpu.memref_slice %arg4[%select_n3A, %add3A_206, %dma_wait3A_213] : memref<4x4096x768xf32, #tpu.memory_space<hbm>> -> memref<1x32x768xf32, #tpu.memory_space<hbm>>
    %dma_wait3A_215 = tpu.memref_squeeze %dma_wait3A_214 : memref<1x32x768xf32, #tpu.memory_space<hbm>> -> memref<32x768xf32, #tpu.memory_space<hbm>>
    %dma_wait3A_216 = arith.constant 0 : i32
    %dma_wait3A_217 = tpu.memref_slice %arg4[%select_n3A, %add3A_206, %dma_wait3A_216] : memref<4x4096x768xf32, #tpu.memory_space<hbm>> -> memref<1x32x768xf32, #tpu.memory_space<hbm>>
    %dma_wait3A_218 = tpu.memref_squeeze %dma_wait3A_217 : memref<1x32x768xf32, #tpu.memory_space<hbm>> -> memref<32x768xf32, #tpu.memory_space<hbm>>
    tpu.wait_dma2 semaphore(%arg17 : memref<!tpu.dma_semaphore, #tpu.memory_space<semaphore_mem>>) src(%arg7 : memref<32x768xf32, #tpu.memory_space<vmem>>) dst(%dma_wait3A_218 : memref<32x768xf32, #tpu.memory_space<hbm>>)
    %dma_start3A_219 = arith.constant 352 : i32
    %dma_start3A_220 = tpu.memref_slice %arg5[%dma_start3A_219] : memref<512xi32, #tpu.memory_space<vmem>> -> memref<32xi32, #tpu.memory_space<vmem>>
    %dma_start3A_221 = arith.constant 0 : i32
    %dma_start3A_222 = arith.constant 0 : i32
    %dma_start3A_223 = tpu.memref_slice %arg3[%dma_start3A_221, %dma_start3A_222] : memref<100000x768xf32, #tpu.memory_space<hbm>> -> memref<100000x768xf32, #tpu.memory_space<hbm>>
    tpu.enqueue_indirect_dma source(%dma_start3A_223 : memref<100000x768xf32, #tpu.memory_space<hbm>>) target(%arg7 : memref<32x768xf32, #tpu.memory_space<vmem>>) offsets(%dma_start3A_220 : memref<32xi32, #tpu.memory_space<vmem>>) semaphore(%arg12 : memref<!tpu.dma_semaphore, #tpu.memory_space<semaphore_mem>>)
    %dma_wait3A_224 = arith.constant 224 : i32
    %dma_wait3A_225 = tpu.memref_slice %arg5[%dma_wait3A_224] : memref<512xi32, #tpu.memory_space<vmem>> -> memref<32xi32, #tpu.memory_space<vmem>>
    %dma_wait3A_226 = arith.constant 0 : i32
    %dma_wait3A_227 = arith.constant 0 : i32
    %dma_wait3A_228 = tpu.memref_slice %arg3[%dma_wait3A_226, %dma_wait3A_227] : memref<100000x768xf32, #tpu.memory_space<hbm>> -> memref<100000x768xf32, #tpu.memory_space<hbm>>
    tpu.wait_indirect_dma semaphore(%arg13 : memref<!tpu.dma_semaphore, #tpu.memory_space<semaphore_mem>>) src(%dma_wait3A_228 : memref<100000x768xf32, #tpu.memory_space<hbm>>) dst(%arg8 : memref<32x768xf32, #tpu.memory_space<vmem>>)
    %add3A_229 = arith.constant 224 : i32
    %add3A_230 = arith.addi %mul3A_32, %add3A_229 : i32
    %dma_start3A_231 = arith.constant 0 : i32
    %dma_start3A_232 = tpu.memref_slice %arg4[%select_n3A, %add3A_230, %dma_start3A_231] : memref<4x4096x768xf32, #tpu.memory_space<hbm>> -> memref<1x32x768xf32, #tpu.memory_space<hbm>>
    %dma_start3A_233 = tpu.memref_squeeze %dma_start3A_232 : memref<1x32x768xf32, #tpu.memory_space<hbm>> -> memref<32x768xf32, #tpu.memory_space<hbm>>
    %dma_start3A_234 = arith.constant 0 : i32
    %dma_start3A_235 = tpu.memref_slice %arg4[%select_n3A, %add3A_230, %dma_start3A_234] : memref<4x4096x768xf32, #tpu.memory_space<hbm>> -> memref<1x32x768xf32, #tpu.memory_space<hbm>>
    %dma_start3A_236 = tpu.memref_squeeze %dma_start3A_235 : memref<1x32x768xf32, #tpu.memory_space<hbm>> -> memref<32x768xf32, #tpu.memory_space<hbm>>
    tpu.enqueue_dma source(%arg8 : memref<32x768xf32, #tpu.memory_space<vmem>>) target(%dma_start3A_236 : memref<32x768xf32, #tpu.memory_space<hbm>>) target_semaphore(%arg18 : memref<!tpu.dma_semaphore, #tpu.memory_space<semaphore_mem>>)
    %dma_wait3A_237 = arith.constant 0 : i32
    %dma_wait3A_238 = tpu.memref_slice %arg4[%select_n3A, %add3A_230, %dma_wait3A_237] : memref<4x4096x768xf32, #tpu.memory_space<hbm>> -> memref<1x32x768xf32, #tpu.memory_space<hbm>>
    %dma_wait3A_239 = tpu.memref_squeeze %dma_wait3A_238 : memref<1x32x768xf32, #tpu.memory_space<hbm>> -> memref<32x768xf32, #tpu.memory_space<hbm>>
    %dma_wait3A_240 = arith.constant 0 : i32
    %dma_wait3A_241 = tpu.memref_slice %arg4[%select_n3A, %add3A_230, %dma_wait3A_240] : memref<4x4096x768xf32, #tpu.memory_space<hbm>> -> memref<1x32x768xf32, #tpu.memory_space<hbm>>
    %dma_wait3A_242 = tpu.memref_squeeze %dma_wait3A_241 : memref<1x32x768xf32, #tpu.memory_space<hbm>> -> memref<32x768xf32, #tpu.memory_space<hbm>>
    tpu.wait_dma2 semaphore(%arg18 : memref<!tpu.dma_semaphore, #tpu.memory_space<semaphore_mem>>) src(%arg8 : memref<32x768xf32, #tpu.memory_space<vmem>>) dst(%dma_wait3A_242 : memref<32x768xf32, #tpu.memory_space<hbm>>)
    %dma_start3A_243 = arith.constant 384 : i32
    %dma_start3A_244 = tpu.memref_slice %arg5[%dma_start3A_243] : memref<512xi32, #tpu.memory_space<vmem>> -> memref<32xi32, #tpu.memory_space<vmem>>
    %dma_start3A_245 = arith.constant 0 : i32
    %dma_start3A_246 = arith.constant 0 : i32
    %dma_start3A_247 = tpu.memref_slice %arg3[%dma_start3A_245, %dma_start3A_246] : memref<100000x768xf32, #tpu.memory_space<hbm>> -> memref<100000x768xf32, #tpu.memory_space<hbm>>
    tpu.enqueue_indirect_dma source(%dma_start3A_247 : memref<100000x768xf32, #tpu.memory_space<hbm>>) target(%arg8 : memref<32x768xf32, #tpu.memory_space<vmem>>) offsets(%dma_start3A_244 : memref<32xi32, #tpu.memory_space<vmem>>) semaphore(%arg13 : memref<!tpu.dma_semaphore, #tpu.memory_space<semaphore_mem>>)
    %dma_wait3A_248 = arith.constant 256 : i32
    %dma_wait3A_249 = tpu.memref_slice %arg5[%dma_wait3A_248] : memref<512xi32, #tpu.memory_space<vmem>> -> memref<32xi32, #tpu.memory_space<vmem>>
    %dma_wait3A_250 = arith.constant 0 : i32
    %dma_wait3A_251 = arith.constant 0 : i32
    %dma_wait3A_252 = tpu.memref_slice %arg3[%dma_wait3A_250, %dma_wait3A_251] : memref<100000x768xf32, #tpu.memory_space<hbm>> -> memref<100000x768xf32, #tpu.memory_space<hbm>>
    tpu.wait_indirect_dma semaphore(%arg14 : memref<!tpu.dma_semaphore, #tpu.memory_space<semaphore_mem>>) src(%dma_wait3A_252 : memref<100000x768xf32, #tpu.memory_space<hbm>>) dst(%arg9 : memref<32x768xf32, #tpu.memory_space<vmem>>)
    %add3A_253 = arith.constant 256 : i32
    %add3A_254 = arith.addi %mul3A_32, %add3A_253 : i32
    %dma_start3A_255 = arith.constant 0 : i32
    %dma_start3A_256 = tpu.memref_slice %arg4[%select_n3A, %add3A_254, %dma_start3A_255] : memref<4x4096x768xf32, #tpu.memory_space<hbm>> -> memref<1x32x768xf32, #tpu.memory_space<hbm>>
    %dma_start3A_257 = tpu.memref_squeeze %dma_start3A_256 : memref<1x32x768xf32, #tpu.memory_space<hbm>> -> memref<32x768xf32, #tpu.memory_space<hbm>>
    %dma_start3A_258 = arith.constant 0 : i32
    %dma_start3A_259 = tpu.memref_slice %arg4[%select_n3A, %add3A_254, %dma_start3A_258] : memref<4x4096x768xf32, #tpu.memory_space<hbm>> -> memref<1x32x768xf32, #tpu.memory_space<hbm>>
    %dma_start3A_260 = tpu.memref_squeeze %dma_start3A_259 : memref<1x32x768xf32, #tpu.memory_space<hbm>> -> memref<32x768xf32, #tpu.memory_space<hbm>>
    tpu.enqueue_dma source(%arg9 : memref<32x768xf32, #tpu.memory_space<vmem>>) target(%dma_start3A_260 : memref<32x768xf32, #tpu.memory_space<hbm>>) target_semaphore(%arg19 : memref<!tpu.dma_semaphore, #tpu.memory_space<semaphore_mem>>)
    %dma_wait3A_261 = arith.constant 0 : i32
    %dma_wait3A_262 = tpu.memref_slice %arg4[%select_n3A, %add3A_254, %dma_wait3A_261] : memref<4x4096x768xf32, #tpu.memory_space<hbm>> -> memref<1x32x768xf32, #tpu.memory_space<hbm>>
    %dma_wait3A_263 = tpu.memref_squeeze %dma_wait3A_262 : memref<1x32x768xf32, #tpu.memory_space<hbm>> -> memref<32x768xf32, #tpu.memory_space<hbm>>
    %dma_wait3A_264 = arith.constant 0 : i32
    %dma_wait3A_265 = tpu.memref_slice %arg4[%select_n3A, %add3A_254, %dma_wait3A_264] : memref<4x4096x768xf32, #tpu.memory_space<hbm>> -> memref<1x32x768xf32, #tpu.memory_space<hbm>>
    %dma_wait3A_266 = tpu.memref_squeeze %dma_wait3A_265 : memref<1x32x768xf32, #tpu.memory_space<hbm>> -> memref<32x768xf32, #tpu.memory_space<hbm>>
    tpu.wait_dma2 semaphore(%arg19 : memref<!tpu.dma_semaphore, #tpu.memory_space<semaphore_mem>>) src(%arg9 : memref<32x768xf32, #tpu.memory_space<vmem>>) dst(%dma_wait3A_266 : memref<32x768xf32, #tpu.memory_space<hbm>>)
    %dma_start3A_267 = arith.constant 416 : i32
    %dma_start3A_268 = tpu.memref_slice %arg5[%dma_start3A_267] : memref<512xi32, #tpu.memory_space<vmem>> -> memref<32xi32, #tpu.memory_space<vmem>>
    %dma_start3A_269 = arith.constant 0 : i32
    %dma_start3A_270 = arith.constant 0 : i32
    %dma_start3A_271 = tpu.memref_slice %arg3[%dma_start3A_269, %dma_start3A_270] : memref<100000x768xf32, #tpu.memory_space<hbm>> -> memref<100000x768xf32, #tpu.memory_space<hbm>>
    tpu.enqueue_indirect_dma source(%dma_start3A_271 : memref<100000x768xf32, #tpu.memory_space<hbm>>) target(%arg9 : memref<32x768xf32, #tpu.memory_space<vmem>>) offsets(%dma_start3A_268 : memref<32xi32, #tpu.memory_space<vmem>>) semaphore(%arg14 : memref<!tpu.dma_semaphore, #tpu.memory_space<semaphore_mem>>)
    %dma_wait3A_272 = arith.constant 288 : i32
    %dma_wait3A_273 = tpu.memref_slice %arg5[%dma_wait3A_272] : memref<512xi32, #tpu.memory_space<vmem>> -> memref<32xi32, #tpu.memory_space<vmem>>
    %dma_wait3A_274 = arith.constant 0 : i32
    %dma_wait3A_275 = arith.constant 0 : i32
    %dma_wait3A_276 = tpu.memref_slice %arg3[%dma_wait3A_274, %dma_wait3A_275] : memref<100000x768xf32, #tpu.memory_space<hbm>> -> memref<100000x768xf32, #tpu.memory_space<hbm>>
    tpu.wait_indirect_dma semaphore(%arg15 : memref<!tpu.dma_semaphore, #tpu.memory_space<semaphore_mem>>) src(%dma_wait3A_276 : memref<100000x768xf32, #tpu.memory_space<hbm>>) dst(%arg10 : memref<32x768xf32, #tpu.memory_space<vmem>>)
    %add3A_277 = arith.constant 288 : i32
    %add3A_278 = arith.addi %mul3A_32, %add3A_277 : i32
    %dma_start3A_279 = arith.constant 0 : i32
    %dma_start3A_280 = tpu.memref_slice %arg4[%select_n3A, %add3A_278, %dma_start3A_279] : memref<4x4096x768xf32, #tpu.memory_space<hbm>> -> memref<1x32x768xf32, #tpu.memory_space<hbm>>
    %dma_start3A_281 = tpu.memref_squeeze %dma_start3A_280 : memref<1x32x768xf32, #tpu.memory_space<hbm>> -> memref<32x768xf32, #tpu.memory_space<hbm>>
    %dma_start3A_282 = arith.constant 0 : i32
    %dma_start3A_283 = tpu.memref_slice %arg4[%select_n3A, %add3A_278, %dma_start3A_282] : memref<4x4096x768xf32, #tpu.memory_space<hbm>> -> memref<1x32x768xf32, #tpu.memory_space<hbm>>
    %dma_start3A_284 = tpu.memref_squeeze %dma_start3A_283 : memref<1x32x768xf32, #tpu.memory_space<hbm>> -> memref<32x768xf32, #tpu.memory_space<hbm>>
    tpu.enqueue_dma source(%arg10 : memref<32x768xf32, #tpu.memory_space<vmem>>) target(%dma_start3A_284 : memref<32x768xf32, #tpu.memory_space<hbm>>) target_semaphore(%arg20 : memref<!tpu.dma_semaphore, #tpu.memory_space<semaphore_mem>>)
    %dma_wait3A_285 = arith.constant 0 : i32
    %dma_wait3A_286 = tpu.memref_slice %arg4[%select_n3A, %add3A_278, %dma_wait3A_285] : memref<4x4096x768xf32, #tpu.memory_space<hbm>> -> memref<1x32x768xf32, #tpu.memory_space<hbm>>
    %dma_wait3A_287 = tpu.memref_squeeze %dma_wait3A_286 : memref<1x32x768xf32, #tpu.memory_space<hbm>> -> memref<32x768xf32, #tpu.memory_space<hbm>>
    %dma_wait3A_288 = arith.constant 0 : i32
    %dma_wait3A_289 = tpu.memref_slice %arg4[%select_n3A, %add3A_278, %dma_wait3A_288] : memref<4x4096x768xf32, #tpu.memory_space<hbm>> -> memref<1x32x768xf32, #tpu.memory_space<hbm>>
    %dma_wait3A_290 = tpu.memref_squeeze %dma_wait3A_289 : memref<1x32x768xf32, #tpu.memory_space<hbm>> -> memref<32x768xf32, #tpu.memory_space<hbm>>
    tpu.wait_dma2 semaphore(%arg20 : memref<!tpu.dma_semaphore, #tpu.memory_space<semaphore_mem>>) src(%arg10 : memref<32x768xf32, #tpu.memory_space<vmem>>) dst(%dma_wait3A_290 : memref<32x768xf32, #tpu.memory_space<hbm>>)
    %dma_start3A_291 = arith.constant 448 : i32
    %dma_start3A_292 = tpu.memref_slice %arg5[%dma_start3A_291] : memref<512xi32, #tpu.memory_space<vmem>> -> memref<32xi32, #tpu.memory_space<vmem>>
    %dma_start3A_293 = arith.constant 0 : i32
    %dma_start3A_294 = arith.constant 0 : i32
    %dma_start3A_295 = tpu.memref_slice %arg3[%dma_start3A_293, %dma_start3A_294] : memref<100000x768xf32, #tpu.memory_space<hbm>> -> memref<100000x768xf32, #tpu.memory_space<hbm>>
    tpu.enqueue_indirect_dma source(%dma_start3A_295 : memref<100000x768xf32, #tpu.memory_space<hbm>>) target(%arg10 : memref<32x768xf32, #tpu.memory_space<vmem>>) offsets(%dma_start3A_292 : memref<32xi32, #tpu.memory_space<vmem>>) semaphore(%arg15 : memref<!tpu.dma_semaphore, #tpu.memory_space<semaphore_mem>>)
    %dma_wait3A_296 = arith.constant 320 : i32
    %dma_wait3A_297 = tpu.memref_slice %arg5[%dma_wait3A_296] : memref<512xi32, #tpu.memory_space<vmem>> -> memref<32xi32, #tpu.memory_space<vmem>>
    %dma_wait3A_298 = arith.constant 0 : i32
    %dma_wait3A_299 = arith.constant 0 : i32
    %dma_wait3A_300 = tpu.memref_slice %arg3[%dma_wait3A_298, %dma_wait3A_299] : memref<100000x768xf32, #tpu.memory_space<hbm>> -> memref<100000x768xf32, #tpu.memory_space<hbm>>
    tpu.wait_indirect_dma semaphore(%arg11 : memref<!tpu.dma_semaphore, #tpu.memory_space<semaphore_mem>>) src(%dma_wait3A_300 : memref<100000x768xf32, #tpu.memory_space<hbm>>) dst(%arg6 : memref<32x768xf32, #tpu.memory_space<vmem>>)
    %add3A_301 = arith.constant 320 : i32
    %add3A_302 = arith.addi %mul3A_32, %add3A_301 : i32
    %dma_start3A_303 = arith.constant 0 : i32
    %dma_start3A_304 = tpu.memref_slice %arg4[%select_n3A, %add3A_302, %dma_start3A_303] : memref<4x4096x768xf32, #tpu.memory_space<hbm>> -> memref<1x32x768xf32, #tpu.memory_space<hbm>>
    %dma_start3A_305 = tpu.memref_squeeze %dma_start3A_304 : memref<1x32x768xf32, #tpu.memory_space<hbm>> -> memref<32x768xf32, #tpu.memory_space<hbm>>
    %dma_start3A_306 = arith.constant 0 : i32
    %dma_start3A_307 = tpu.memref_slice %arg4[%select_n3A, %add3A_302, %dma_start3A_306] : memref<4x4096x768xf32, #tpu.memory_space<hbm>> -> memref<1x32x768xf32, #tpu.memory_space<hbm>>
    %dma_start3A_308 = tpu.memref_squeeze %dma_start3A_307 : memref<1x32x768xf32, #tpu.memory_space<hbm>> -> memref<32x768xf32, #tpu.memory_space<hbm>>
    tpu.enqueue_dma source(%arg6 : memref<32x768xf32, #tpu.memory_space<vmem>>) target(%dma_start3A_308 : memref<32x768xf32, #tpu.memory_space<hbm>>) target_semaphore(%arg16 : memref<!tpu.dma_semaphore, #tpu.memory_space<semaphore_mem>>)
    %dma_wait3A_309 = arith.constant 0 : i32
    %dma_wait3A_310 = tpu.memref_slice %arg4[%select_n3A, %add3A_302, %dma_wait3A_309] : memref<4x4096x768xf32, #tpu.memory_space<hbm>> -> memref<1x32x768xf32, #tpu.memory_space<hbm>>
    %dma_wait3A_311 = tpu.memref_squeeze %dma_wait3A_310 : memref<1x32x768xf32, #tpu.memory_space<hbm>> -> memref<32x768xf32, #tpu.memory_space<hbm>>
    %dma_wait3A_312 = arith.constant 0 : i32
    %dma_wait3A_313 = tpu.memref_slice %arg4[%select_n3A, %add3A_302, %dma_wait3A_312] : memref<4x4096x768xf32, #tpu.memory_space<hbm>> -> memref<1x32x768xf32, #tpu.memory_space<hbm>>
    %dma_wait3A_314 = tpu.memref_squeeze %dma_wait3A_313 : memref<1x32x768xf32, #tpu.memory_space<hbm>> -> memref<32x768xf32, #tpu.memory_space<hbm>>
    tpu.wait_dma2 semaphore(%arg16 : memref<!tpu.dma_semaphore, #tpu.memory_space<semaphore_mem>>) src(%arg6 : memref<32x768xf32, #tpu.memory_space<vmem>>) dst(%dma_wait3A_314 : memref<32x768xf32, #tpu.memory_space<hbm>>)
    %dma_start3A_315 = arith.constant 480 : i32
    %dma_start3A_316 = tpu.memref_slice %arg5[%dma_start3A_315] : memref<512xi32, #tpu.memory_space<vmem>> -> memref<32xi32, #tpu.memory_space<vmem>>
    %dma_start3A_317 = arith.constant 0 : i32
    %dma_start3A_318 = arith.constant 0 : i32
    %dma_start3A_319 = tpu.memref_slice %arg3[%dma_start3A_317, %dma_start3A_318] : memref<100000x768xf32, #tpu.memory_space<hbm>> -> memref<100000x768xf32, #tpu.memory_space<hbm>>
    tpu.enqueue_indirect_dma source(%dma_start3A_319 : memref<100000x768xf32, #tpu.memory_space<hbm>>) target(%arg6 : memref<32x768xf32, #tpu.memory_space<vmem>>) offsets(%dma_start3A_316 : memref<32xi32, #tpu.memory_space<vmem>>) semaphore(%arg11 : memref<!tpu.dma_semaphore, #tpu.memory_space<semaphore_mem>>)
    %dma_wait3A_320 = arith.constant 352 : i32
    %dma_wait3A_321 = tpu.memref_slice %arg5[%dma_wait3A_320] : memref<512xi32, #tpu.memory_space<vmem>> -> memref<32xi32, #tpu.memory_space<vmem>>
    %dma_wait3A_322 = arith.constant 0 : i32
    %dma_wait3A_323 = arith.constant 0 : i32
    %dma_wait3A_324 = tpu.memref_slice %arg3[%dma_wait3A_322, %dma_wait3A_323] : memref<100000x768xf32, #tpu.memory_space<hbm>> -> memref<100000x768xf32, #tpu.memory_space<hbm>>
    tpu.wait_indirect_dma semaphore(%arg12 : memref<!tpu.dma_semaphore, #tpu.memory_space<semaphore_mem>>) src(%dma_wait3A_324 : memref<100000x768xf32, #tpu.memory_space<hbm>>) dst(%arg7 : memref<32x768xf32, #tpu.memory_space<vmem>>)
    %add3A_325 = arith.constant 352 : i32
    %add3A_326 = arith.addi %mul3A_32, %add3A_325 : i32
    %dma_start3A_327 = arith.constant 0 : i32
    %dma_start3A_328 = tpu.memref_slice %arg4[%select_n3A, %add3A_326, %dma_start3A_327] : memref<4x4096x768xf32, #tpu.memory_space<hbm>> -> memref<1x32x768xf32, #tpu.memory_space<hbm>>
    %dma_start3A_329 = tpu.memref_squeeze %dma_start3A_328 : memref<1x32x768xf32, #tpu.memory_space<hbm>> -> memref<32x768xf32, #tpu.memory_space<hbm>>
    %dma_start3A_330 = arith.constant 0 : i32
    %dma_start3A_331 = tpu.memref_slice %arg4[%select_n3A, %add3A_326, %dma_start3A_330] : memref<4x4096x768xf32, #tpu.memory_space<hbm>> -> memref<1x32x768xf32, #tpu.memory_space<hbm>>
    %dma_start3A_332 = tpu.memref_squeeze %dma_start3A_331 : memref<1x32x768xf32, #tpu.memory_space<hbm>> -> memref<32x768xf32, #tpu.memory_space<hbm>>
    tpu.enqueue_dma source(%arg7 : memref<32x768xf32, #tpu.memory_space<vmem>>) target(%dma_start3A_332 : memref<32x768xf32, #tpu.memory_space<hbm>>) target_semaphore(%arg17 : memref<!tpu.dma_semaphore, #tpu.memory_space<semaphore_mem>>)
    %dma_wait3A_333 = arith.constant 384 : i32
    %dma_wait3A_334 = tpu.memref_slice %arg5[%dma_wait3A_333] : memref<512xi32, #tpu.memory_space<vmem>> -> memref<32xi32, #tpu.memory_space<vmem>>
    %dma_wait3A_335 = arith.constant 0 : i32
    %dma_wait3A_336 = arith.constant 0 : i32
    %dma_wait3A_337 = tpu.memref_slice %arg3[%dma_wait3A_335, %dma_wait3A_336] : memref<100000x768xf32, #tpu.memory_space<hbm>> -> memref<100000x768xf32, #tpu.memory_space<hbm>>
    tpu.wait_indirect_dma semaphore(%arg13 : memref<!tpu.dma_semaphore, #tpu.memory_space<semaphore_mem>>) src(%dma_wait3A_337 : memref<100000x768xf32, #tpu.memory_space<hbm>>) dst(%arg8 : memref<32x768xf32, #tpu.memory_space<vmem>>)
    %add3A_338 = arith.constant 384 : i32
    %add3A_339 = arith.addi %mul3A_32, %add3A_338 : i32
    %dma_start3A_340 = arith.constant 0 : i32
    %dma_start3A_341 = tpu.memref_slice %arg4[%select_n3A, %add3A_339, %dma_start3A_340] : memref<4x4096x768xf32, #tpu.memory_space<hbm>> -> memref<1x32x768xf32, #tpu.memory_space<hbm>>
    %dma_start3A_342 = tpu.memref_squeeze %dma_start3A_341 : memref<1x32x768xf32, #tpu.memory_space<hbm>> -> memref<32x768xf32, #tpu.memory_space<hbm>>
    %dma_start3A_343 = arith.constant 0 : i32
    %dma_start3A_344 = tpu.memref_slice %arg4[%select_n3A, %add3A_339, %dma_start3A_343] : memref<4x4096x768xf32, #tpu.memory_space<hbm>> -> memref<1x32x768xf32, #tpu.memory_space<hbm>>
    %dma_start3A_345 = tpu.memref_squeeze %dma_start3A_344 : memref<1x32x768xf32, #tpu.memory_space<hbm>> -> memref<32x768xf32, #tpu.memory_space<hbm>>
    tpu.enqueue_dma source(%arg8 : memref<32x768xf32, #tpu.memory_space<vmem>>) target(%dma_start3A_345 : memref<32x768xf32, #tpu.memory_space<hbm>>) target_semaphore(%arg18 : memref<!tpu.dma_semaphore, #tpu.memory_space<semaphore_mem>>)
    %dma_wait3A_346 = arith.constant 416 : i32
    %dma_wait3A_347 = tpu.memref_slice %arg5[%dma_wait3A_346] : memref<512xi32, #tpu.memory_space<vmem>> -> memref<32xi32, #tpu.memory_space<vmem>>
    %dma_wait3A_348 = arith.constant 0 : i32
    %dma_wait3A_349 = arith.constant 0 : i32
    %dma_wait3A_350 = tpu.memref_slice %arg3[%dma_wait3A_348, %dma_wait3A_349] : memref<100000x768xf32, #tpu.memory_space<hbm>> -> memref<100000x768xf32, #tpu.memory_space<hbm>>
    tpu.wait_indirect_dma semaphore(%arg14 : memref<!tpu.dma_semaphore, #tpu.memory_space<semaphore_mem>>) src(%dma_wait3A_350 : memref<100000x768xf32, #tpu.memory_space<hbm>>) dst(%arg9 : memref<32x768xf32, #tpu.memory_space<vmem>>)
    %add3A_351 = arith.constant 416 : i32
    %add3A_352 = arith.addi %mul3A_32, %add3A_351 : i32
    %dma_start3A_353 = arith.constant 0 : i32
    %dma_start3A_354 = tpu.memref_slice %arg4[%select_n3A, %add3A_352, %dma_start3A_353] : memref<4x4096x768xf32, #tpu.memory_space<hbm>> -> memref<1x32x768xf32, #tpu.memory_space<hbm>>
    %dma_start3A_355 = tpu.memref_squeeze %dma_start3A_354 : memref<1x32x768xf32, #tpu.memory_space<hbm>> -> memref<32x768xf32, #tpu.memory_space<hbm>>
    %dma_start3A_356 = arith.constant 0 : i32
    %dma_start3A_357 = tpu.memref_slice %arg4[%select_n3A, %add3A_352, %dma_start3A_356] : memref<4x4096x768xf32, #tpu.memory_space<hbm>> -> memref<1x32x768xf32, #tpu.memory_space<hbm>>
    %dma_start3A_358 = tpu.memref_squeeze %dma_start3A_357 : memref<1x32x768xf32, #tpu.memory_space<hbm>> -> memref<32x768xf32, #tpu.memory_space<hbm>>
    tpu.enqueue_dma source(%arg9 : memref<32x768xf32, #tpu.memory_space<vmem>>) target(%dma_start3A_358 : memref<32x768xf32, #tpu.memory_space<hbm>>) target_semaphore(%arg19 : memref<!tpu.dma_semaphore, #tpu.memory_space<semaphore_mem>>)
    %dma_wait3A_359 = arith.constant 448 : i32
    %dma_wait3A_360 = tpu.memref_slice %arg5[%dma_wait3A_359] : memref<512xi32, #tpu.memory_space<vmem>> -> memref<32xi32, #tpu.memory_space<vmem>>
    %dma_wait3A_361 = arith.constant 0 : i32
    %dma_wait3A_362 = arith.constant 0 : i32
    %dma_wait3A_363 = tpu.memref_slice %arg3[%dma_wait3A_361, %dma_wait3A_362] : memref<100000x768xf32, #tpu.memory_space<hbm>> -> memref<100000x768xf32, #tpu.memory_space<hbm>>
    tpu.wait_indirect_dma semaphore(%arg15 : memref<!tpu.dma_semaphore, #tpu.memory_space<semaphore_mem>>) src(%dma_wait3A_363 : memref<100000x768xf32, #tpu.memory_space<hbm>>) dst(%arg10 : memref<32x768xf32, #tpu.memory_space<vmem>>)
    %add3A_364 = arith.constant 448 : i32
    %add3A_365 = arith.addi %mul3A_32, %add3A_364 : i32
    %dma_start3A_366 = arith.constant 0 : i32
    %dma_start3A_367 = tpu.memref_slice %arg4[%select_n3A, %add3A_365, %dma_start3A_366] : memref<4x4096x768xf32, #tpu.memory_space<hbm>> -> memref<1x32x768xf32, #tpu.memory_space<hbm>>
    %dma_start3A_368 = tpu.memref_squeeze %dma_start3A_367 : memref<1x32x768xf32, #tpu.memory_space<hbm>> -> memref<32x768xf32, #tpu.memory_space<hbm>>
    %dma_start3A_369 = arith.constant 0 : i32
    %dma_start3A_370 = tpu.memref_slice %arg4[%select_n3A, %add3A_365, %dma_start3A_369] : memref<4x4096x768xf32, #tpu.memory_space<hbm>> -> memref<1x32x768xf32, #tpu.memory_space<hbm>>
    %dma_start3A_371 = tpu.memref_squeeze %dma_start3A_370 : memref<1x32x768xf32, #tpu.memory_space<hbm>> -> memref<32x768xf32, #tpu.memory_space<hbm>>
    tpu.enqueue_dma source(%arg10 : memref<32x768xf32, #tpu.memory_space<vmem>>) target(%dma_start3A_371 : memref<32x768xf32, #tpu.memory_space<hbm>>) target_semaphore(%arg20 : memref<!tpu.dma_semaphore, #tpu.memory_space<semaphore_mem>>)
    %dma_wait3A_372 = arith.constant 480 : i32
    %dma_wait3A_373 = tpu.memref_slice %arg5[%dma_wait3A_372] : memref<512xi32, #tpu.memory_space<vmem>> -> memref<32xi32, #tpu.memory_space<vmem>>
    %dma_wait3A_374 = arith.constant 0 : i32
    %dma_wait3A_375 = arith.constant 0 : i32
    %dma_wait3A_376 = tpu.memref_slice %arg3[%dma_wait3A_374, %dma_wait3A_375] : memref<100000x768xf32, #tpu.memory_space<hbm>> -> memref<100000x768xf32, #tpu.memory_space<hbm>>
    tpu.wait_indirect_dma semaphore(%arg11 : memref<!tpu.dma_semaphore, #tpu.memory_space<semaphore_mem>>) src(%dma_wait3A_376 : memref<100000x768xf32, #tpu.memory_space<hbm>>) dst(%arg6 : memref<32x768xf32, #tpu.memory_space<vmem>>)
    %add3A_377 = arith.constant 480 : i32
    %add3A_378 = arith.addi %mul3A_32, %add3A_377 : i32
    %dma_start3A_379 = arith.constant 0 : i32
    %dma_start3A_380 = tpu.memref_slice %arg4[%select_n3A, %add3A_378, %dma_start3A_379] : memref<4x4096x768xf32, #tpu.memory_space<hbm>> -> memref<1x32x768xf32, #tpu.memory_space<hbm>>
    %dma_start3A_381 = tpu.memref_squeeze %dma_start3A_380 : memref<1x32x768xf32, #tpu.memory_space<hbm>> -> memref<32x768xf32, #tpu.memory_space<hbm>>
    %dma_start3A_382 = arith.constant 0 : i32
    %dma_start3A_383 = tpu.memref_slice %arg4[%select_n3A, %add3A_378, %dma_start3A_382] : memref<4x4096x768xf32, #tpu.memory_space<hbm>> -> memref<1x32x768xf32, #tpu.memory_space<hbm>>
    %dma_start3A_384 = tpu.memref_squeeze %dma_start3A_383 : memref<1x32x768xf32, #tpu.memory_space<hbm>> -> memref<32x768xf32, #tpu.memory_space<hbm>>
    tpu.enqueue_dma source(%arg6 : memref<32x768xf32, #tpu.memory_space<vmem>>) target(%dma_start3A_384 : memref<32x768xf32, #tpu.memory_space<hbm>>) target_semaphore(%arg16 : memref<!tpu.dma_semaphore, #tpu.memory_space<semaphore_mem>>)
    %dma_wait3A_385 = arith.constant 0 : i32
    %dma_wait3A_386 = tpu.memref_slice %arg4[%select_n3A, %add3A_326, %dma_wait3A_385] : memref<4x4096x768xf32, #tpu.memory_space<hbm>> -> memref<1x32x768xf32, #tpu.memory_space<hbm>>
    %dma_wait3A_387 = tpu.memref_squeeze %dma_wait3A_386 : memref<1x32x768xf32, #tpu.memory_space<hbm>> -> memref<32x768xf32, #tpu.memory_space<hbm>>
    %dma_wait3A_388 = arith.constant 0 : i32
    %dma_wait3A_389 = tpu.memref_slice %arg4[%select_n3A, %add3A_326, %dma_wait3A_388] : memref<4x4096x768xf32, #tpu.memory_space<hbm>> -> memref<1x32x768xf32, #tpu.memory_space<hbm>>
    %dma_wait3A_390 = tpu.memref_squeeze %dma_wait3A_389 : memref<1x32x768xf32, #tpu.memory_space<hbm>> -> memref<32x768xf32, #tpu.memory_space<hbm>>
    tpu.wait_dma2 semaphore(%arg17 : memref<!tpu.dma_semaphore, #tpu.memory_space<semaphore_mem>>) src(%arg7 : memref<32x768xf32, #tpu.memory_space<vmem>>) dst(%dma_wait3A_390 : memref<32x768xf32, #tpu.memory_space<hbm>>)
    %dma_wait3A_391 = arith.constant 0 : i32
    %dma_wait3A_392 = tpu.memref_slice %arg4[%select_n3A, %add3A_339, %dma_wait3A_391] : memref<4x4096x768xf32, #tpu.memory_space<hbm>> -> memref<1x32x768xf32, #tpu.memory_space<hbm>>
    %dma_wait3A_393 = tpu.memref_squeeze %dma_wait3A_392 : memref<1x32x768xf32, #tpu.memory_space<hbm>> -> memref<32x768xf32, #tpu.memory_space<hbm>>
    %dma_wait3A_394 = arith.constant 0 : i32
    %dma_wait3A_395 = tpu.memref_slice %arg4[%select_n3A, %add3A_339, %dma_wait3A_394] : memref<4x4096x768xf32, #tpu.memory_space<hbm>> -> memref<1x32x768xf32, #tpu.memory_space<hbm>>
    %dma_wait3A_396 = tpu.memref_squeeze %dma_wait3A_395 : memref<1x32x768xf32, #tpu.memory_space<hbm>> -> memref<32x768xf32, #tpu.memory_space<hbm>>
    tpu.wait_dma2 semaphore(%arg18 : memref<!tpu.dma_semaphore, #tpu.memory_space<semaphore_mem>>) src(%arg8 : memref<32x768xf32, #tpu.memory_space<vmem>>) dst(%dma_wait3A_396 : memref<32x768xf32, #tpu.memory_space<hbm>>)
    %dma_wait3A_397 = arith.constant 0 : i32
    %dma_wait3A_398 = tpu.memref_slice %arg4[%select_n3A, %add3A_352, %dma_wait3A_397] : memref<4x4096x768xf32, #tpu.memory_space<hbm>> -> memref<1x32x768xf32, #tpu.memory_space<hbm>>
    %dma_wait3A_399 = tpu.memref_squeeze %dma_wait3A_398 : memref<1x32x768xf32, #tpu.memory_space<hbm>> -> memref<32x768xf32, #tpu.memory_space<hbm>>
    %dma_wait3A_400 = arith.constant 0 : i32
    %dma_wait3A_401 = tpu.memref_slice %arg4[%select_n3A, %add3A_352, %dma_wait3A_400] : memref<4x4096x768xf32, #tpu.memory_space<hbm>> -> memref<1x32x768xf32, #tpu.memory_space<hbm>>
    %dma_wait3A_402 = tpu.memref_squeeze %dma_wait3A_401 : memref<1x32x768xf32, #tpu.memory_space<hbm>> -> memref<32x768xf32, #tpu.memory_space<hbm>>
    tpu.wait_dma2 semaphore(%arg19 : memref<!tpu.dma_semaphore, #tpu.memory_space<semaphore_mem>>) src(%arg9 : memref<32x768xf32, #tpu.memory_space<vmem>>) dst(%dma_wait3A_402 : memref<32x768xf32, #tpu.memory_space<hbm>>)
    %dma_wait3A_403 = arith.constant 0 : i32
    %dma_wait3A_404 = tpu.memref_slice %arg4[%select_n3A, %add3A_365, %dma_wait3A_403] : memref<4x4096x768xf32, #tpu.memory_space<hbm>> -> memref<1x32x768xf32, #tpu.memory_space<hbm>>
    %dma_wait3A_405 = tpu.memref_squeeze %dma_wait3A_404 : memref<1x32x768xf32, #tpu.memory_space<hbm>> -> memref<32x768xf32, #tpu.memory_space<hbm>>
    %dma_wait3A_406 = arith.constant 0 : i32
    %dma_wait3A_407 = tpu.memref_slice %arg4[%select_n3A, %add3A_365, %dma_wait3A_406] : memref<4x4096x768xf32, #tpu.memory_space<hbm>> -> memref<1x32x768xf32, #tpu.memory_space<hbm>>
    %dma_wait3A_408 = tpu.memref_squeeze %dma_wait3A_407 : memref<1x32x768xf32, #tpu.memory_space<hbm>> -> memref<32x768xf32, #tpu.memory_space<hbm>>
    tpu.wait_dma2 semaphore(%arg20 : memref<!tpu.dma_semaphore, #tpu.memory_space<semaphore_mem>>) src(%arg10 : memref<32x768xf32, #tpu.memory_space<vmem>>) dst(%dma_wait3A_408 : memref<32x768xf32, #tpu.memory_space<hbm>>)
    %dma_wait3A_409 = arith.constant 0 : i32
    %dma_wait3A_410 = tpu.memref_slice %arg4[%select_n3A, %add3A_378, %dma_wait3A_409] : memref<4x4096x768xf32, #tpu.memory_space<hbm>> -> memref<1x32x768xf32, #tpu.memory_space<hbm>>
    %dma_wait3A_411 = tpu.memref_squeeze %dma_wait3A_410 : memref<1x32x768xf32, #tpu.memory_space<hbm>> -> memref<32x768xf32, #tpu.memory_space<hbm>>
    %dma_wait3A_412 = arith.constant 0 : i32
    %dma_wait3A_413 = tpu.memref_slice %arg4[%select_n3A, %add3A_378, %dma_wait3A_412] : memref<4x4096x768xf32, #tpu.memory_space<hbm>> -> memref<1x32x768xf32, #tpu.memory_space<hbm>>
    %dma_wait3A_414 = tpu.memref_squeeze %dma_wait3A_413 : memref<1x32x768xf32, #tpu.memory_space<hbm>> -> memref<32x768xf32, #tpu.memory_space<hbm>>
    tpu.wait_dma2 semaphore(%arg16 : memref<!tpu.dma_semaphore, #tpu.memory_space<semaphore_mem>>) src(%arg6 : memref<32x768xf32, #tpu.memory_space<vmem>>) dst(%dma_wait3A_414 : memref<32x768xf32, #tpu.memory_space<hbm>>)
    return
  }
}

</mosaic_0001>

<sc_bundles>
// kernel: kernel.3.cloned.1.call-start
scs
__scs_entry_jumppad:
0x0: {  	(pc) =	sbr.rel $0x88, $3  }
0x1: {  	(tag) =	ssettag $0x0;
	lr =	simm.s32 $0x1  }
0x2: {  	[smem:$0x3F9F] =	sst lr;
	_ =	strace $0xD0000000  }
0x3: {  	_ = 	snop  }
0x4: {  	_ = 	snop  }
0x5: {  	_ = 	snop  }
0x6: {  	_ = 	snop  }
0x7: {  	_ = 	snop  }
__scs_overlays_trampoline_lowered:
0x8: {  	[smem:$0x3FAE] =	sst s0  }
0x9: {  	[smem:$0x3FAF] =	sst s1  }
0xa: {  	[smem:$0x3FB0] =	sst s2  }
0xb: {  	[smem:$0x3FB1] =	sst s3  }
0xc: {  	[smem:$0x3FB2] =	sst s4  }
0xd: {  	[smem:$0x3FB3] =	sst s5  }
0xe: {  	[smem:$0x3FB4] =	sst s6  }
0xf: {  	[smem:$0x3FB5] =	sst s7  }
0x10: {  	[smem:$0x3FB6] =	sst s8  }
0x11: {  	[smem:$0x3FB7] =	sst s9;
	s0 =	simm.s32 @!p0 $0x0  }
0x12: {  	s1 =	sld [smem:$0x3F9D];
	s0 =	simm.s32 @p0 $0x1  }
0x13: {  	[smem:$0x3FB8] =	sst s0;
	s0 =	simm.s32 @!p1 $0x0  }
0x14: {  	s2 =	sld [smem:$0x3F9C];
	s0 =	simm.s32 @p1 $0x1  }
0x15: {  	[smem:$0x3FB9] =	sst s0;
	s0 =	simm.s32 @!p2 $0x0  }
0x16: {  	s3 =	sld [smem:$0x3FDB];
	s0 =	simm.s32 @p2 $0x1  }
0x17: {  	s4 =	simm.s32 $0x1BF5;
	[smem:$0x3FBB] =	sst s0  }
0x18: {  	s0 =	sld [smem:$0x3F9E];
	_ =	swait.ge [sflag:s4], $0x0  }
0x19: {  	s7 =	sld [smem:$0x3F9F]  }
0x1a: {  	s8 =	sadd.s32 $0xFFFFE003, lr  }
0x1b: {  	s9 =	sadd.s32 $0xFFFFFEF7, lr;
	s5 =	simm.s32 $0xFFFFFFFF;
	p2 =	slt.u32 s8, $0xFFFFF086  }
0x1c: {  	p1 =	slt.u32 s9, $0xF7A;
	s5 =	simm.s32 @!p2 $0x0  }
0x1d: {  	s5 =	simm.s32 @p1 $0x1;
	p0 =	seq.s32 s7, s2  }
0x1e: {  	s7 =	smul.u32 @!p0 $0xF7A, s2;
	p2 =	seq.s32 @!p0 s5, $0x0  }
0x1f: {  	s9 =	smul.u32 $0xF7A, s1;
	s8 =	simm.s32 @!p0 $0x1BF5;
	p2 =	por !p2, p0  }
0x20: {  	[sflag:s8] =	ssyncset.s32 @!p0 $0xFFFFF086;
	s6 =	sadd.s32 @!p0 s3, s7;
	s7 =	simm.s32 @!p0 $0x108  }
0x21: {  	s3 =	sadd.s32 s3, s9;
	s6 =	sadd.s32 @!p0 $0x88, s6;
	s7 =	simm.s32 @p2 $0x1082  }
0x22: {  	[simem:s7], [sflag:s8] =	dma.local @!p0 [hbm:s6], $0xF7A  }
0x23: {  	s9 =	sor.u32 $0xD0000000, s2;
	s6 =	simm.s32 $0x108;
	_ =	swait.ge @!p0 [sflag:s8], $0x0  }
0x24: {  	s3 =	sadd.s32 $0x88, s3;
	s6 =	simm.s32 @!p1 $0x1082;
	[sflag:s4] =	ssyncset.s32 $0xFFFFF086  }
0x25: {  	[simem:s6], [sflag:s4] =	dma.local [hbm:s3], $0xF7A  }
0x26: {  	[smem:$0x3F9F] =	sst s1;
	(tag) =	ssettag s2;
	_ =	strace s9  }
0x27: {  	s1 =	sld [smem:$0x3FAF]  }
0x28: {  	s2 =	sld [smem:$0x3FB0]  }
0x29: {  	s4 =	sld [smem:$0x3FB2]  }
0x2a: {  	p0 =	seq.s32 s5, $0x0;
	s5 =	sld [smem:$0x3FB3]  }
0x2b: {  	s6 =	sld [smem:$0x3FB4]  }
0x2c: {  	s7 =	sld [smem:$0x3FB5]  }
0x2d: {  	s3 =	simm.s32 $0x108;
	s8 =	sld [smem:$0x3FB6]  }
0x2e: {  	s3 =	simm.s32 @!p0 $0x1082;
	s9 =	sld [smem:$0x3FB7]  }
0x2f: {  	lr =	sadd.s32 s0, s3;
	s0 =	sld [smem:$0x3FAE]  }
0x30: {  	s3 =	sld [smem:$0x3FB1]  }
0x31: {  	[smem:$0x3FBA] =	sst s10  }
0x32: {  	s10 =	sld [smem:$0x3FB8];
	_ =	sdelay $0x3  }
0x33: {  	p0 =	seq.s32 s10, $0x1;
	s10 =	sld [smem:$0x3FBA];
	_ =	sdelay $0x3  }
0x34: {  	[smem:$0x3FBA] =	sst s10  }
0x35: {  	s10 =	sld [smem:$0x3FB9];
	_ =	sdelay $0x3  }
0x36: {  	p1 =	seq.s32 s10, $0x1;
	s10 =	sld [smem:$0x3FBA];
	_ =	sdelay $0x3  }
0x37: {  	[smem:$0x3FBA] =	sst s10  }
0x38: {  	s10 =	sld [smem:$0x3FBB]  }
0x39: {  	_ = 	snop;
	(pc) =	sbr.ind lr, $3  }
0x3a: {  	_ = 	snop  }
0x3b: {  	_ = 	snop  }
0x3c: {  	p2 =	seq.s32 s10, $0x1;
	s10 =	sld [smem:$0x3FBA]  }
0x3d: {  	_ =	shalt  }
0x3e: {  	_ =	shalt  }
0x3f: {  	_ =	shalt  }
0x40: {  	_ =	shalt  }
0x41: {  	_ =	shalt  }
0x42: {  	_ =	shalt  }
0x43: {  	_ =	shalt  }
0x44: {  	_ =	shalt  }
0x45: {  	_ =	shalt  }
0x46: {  	_ =	shalt  }
0x47: {  	_ =	shalt  }
0x48: {  	_ =	shalt  }
0x49: {  	_ =	shalt  }
0x4a: {  	_ =	shalt  }
0x4b: {  	_ =	shalt  }
0x4c: {  	_ =	shalt  }
0x4d: {  	_ =	shalt  }
0x4e: {  	_ =	shalt  }
0x4f: {  	_ =	shalt  }
0x50: {  	_ =	shalt  }
0x51: {  	_ =	shalt  }
0x52: {  	_ =	shalt  }
0x53: {  	_ =	shalt  }
0x54: {  	_ =	shalt  }
0x55: {  	_ =	shalt  }
0x56: {  	_ =	shalt  }
0x57: {  	_ =	shalt  }
0x58: {  	_ =	shalt  }
0x59: {  	_ =	shalt  }
0x5a: {  	_ =	shalt  }
0x5b: {  	_ =	shalt  }
0x5c: {  	_ =	shalt  }
0x5d: {  	_ =	shalt  }
0x5e: {  	_ =	shalt  }
0x5f: {  	_ =	shalt  }
0x60: {  	_ =	shalt  }
0x61: {  	_ =	shalt  }
0x62: {  	_ =	shalt  }
0x63: {  	_ =	shalt  }
0x64: {  	_ =	shalt  }
0x65: {  	_ =	shalt  }
0x66: {  	_ =	shalt  }
0x67: {  	_ =	shalt  }
0x68: {  	_ =	shalt  }
0x69: {  	_ =	shalt  }
0x6a: {  	_ =	shalt  }
0x6b: {  	_ =	shalt  }
0x6c: {  	_ =	shalt  }
0x6d: {  	_ =	shalt  }
0x6e: {  	_ =	shalt  }
0x6f: {  	_ =	shalt  }
0x70: {  	_ =	shalt  }
0x71: {  	_ =	shalt  }
0x72: {  	_ =	shalt  }
0x73: {  	_ =	shalt  }
0x74: {  	_ =	shalt  }
0x75: {  	_ =	shalt  }
0x76: {  	_ =	shalt  }
0x77: {  	_ =	shalt  }
0x78: {  	_ =	shalt  }
0x79: {  	_ =	shalt  }
0x7a: {  	_ =	shalt  }
0x7b: {  	_ =	shalt  }
0x7c: {  	_ =	shalt  }
0x7d: {  	_ =	shalt  }
0x7e: {  	_ =	shalt  }
0x7f: {  	_ =	shalt  }
0x80: {  	_ =	shalt  }
0x81: {  	_ =	shalt  }
0x82: {  	_ =	shalt  }
0x83: {  	_ =	shalt  }
0x84: {  	_ =	shalt  }
0x85: {  	_ =	shalt  }
0x86: {  	_ =	shalt  }
0x87: {  	_ =	shalt  }
.Lfunc_end0:
.L_simem_size_0:
called_computation_lowered:
.L_overlay_start_0:
0x88: {  	s2 =	sld [smem:$0x3FD9]  }
0x89: {  	s3 =	sld [smem:$0x3FFE];
	_ =	sdelay $0x1  }
0x8a: {  	s1 =	srdreg.scid  }
0x8b: {  	s0 =	sand.u32 $0x1, s1  }
0x8c: {  	s18 =	sshll.u32 s0, $0xA;
	s2 =	sadd.s32 s3, s2  }
0x8d: {  	s2 =	sadd.s32 s2, s18  }
0x8e: {  	[smem:$0x3FC6] =	sst s2  }
0x8f: {  	_ = 	snop  }
0x90: {  	s2 =	sld [smem:$0x3FC9]  }
0x91: {  	s19 =	sld [smem:$0x3FC8]  }
0x92: {  	s4 =	sld [smem:$0x3FD0];
	(tm) =	ssettm $0x1  }
0x93: {  	s5 =	sld [smem:$0x3FFB];
	_ =	sdelay $0x3  }
0x94: {  	_ =	strace s5  }
0x95: {  	s5 =	sld [smem:$0x3FFC];
	_ =	sdelay $0x3  }
0x96: {  	_ =	strace s5  }
0x97: {  	s5 =	sld [smem:$0x3FFD];
	_ =	sdelay $0x3  }
0x98: {  	_ =	strace s5  }
0x99: {  	_ =	strace $0x8FFFFFFF  }
0x9a: {  	s20 =	sld [smem:$0x3FDB];
	_ =	sdelay $0x1  }
0x9b: {  	s6 =	simm.s32 $_scs_section_size  }
0x9c: {  	s7 =	simm.s32 $_size__tile_overlayer_lowered;
	s8 =	simm.s32 $_tile_overlayer_lowered  }
0x9d: {  	s23 =	simm.s32 $0x1BFF;
	s22 =	sshll.u32 s8, $0x1;
	s5 =	sadd.s32 s6, s20  }
0x9e: {  	s9 =	simm.s32 $0x0;
	s21 =	sshll.u32 s7, $0x1;
	s7 =	sadd.s32 s22, s5  }
0x9f: {  	[timem:s9], [sflag:s23] =	dma.local [hbm:s7], s21  }
0xa0: {  	_ =	swait.ge [sflag:s23], s21  }
0xa1: {  	s6 =	ssub.s32 $0x0, s21;
	[sflag:s23] =	ssyncset.done $0x0  }
0xa2: {  	[sflag:s23] =	ssyncadd.s32 s6;
	_ =	sdelay $0x1  }
0xa3: {  	s24 =	simm.s32 $0x1B8B  }
0xa4: {  	_ =	swait.ge [sflag:s24], $0x1  }
0xa5: {  	[sflag:s24] =	ssyncset.done $0x0  }
0xa6: {  	s25 =	simm.s32 $0x1B8E;
	[sflag:s24] =	ssyncadd.s32 $0xFFFFFFFF  }
0xa7: {  	s26 =	simm.s32 $execute0_lowered;
	[smem:$0x3FD2] =	sst s25  }
0xa8: {  	s6 =	sshll.u32 s26, $0x1;
	_ =	strace $0x80000046;
	[dreg:$0x1] =	wrdreg $0xFFFFFFFF  }
0xa9: {  	s28 =	simm.s32 $_size_execute0_lowered;
	s5 =	sadd.s32 s5, s6;
	[dreg:$0x0] =	wrdreg $0x0  }
0xaa: {  	s6 =	sshll.u32 s28, $0x1;
	[dreg:$0x2] =	wrdreg s5  }
0xab: {  	[dreg:$0x3] =	wrdreg s6  }
0xac: {  	[dreg:$0x4] =	wrdreg $0xC0  }
0xad: {  	_ =	task [dreg:s9], $0x5FFFF  }
0xae: {  	[dreg:$0x1] =	wrdreg $0xFFFFFFFF  }
0xaf: {  	[dreg:$0x0] =	wrdreg $0x60  }
0xb0: {  	[dreg:$0x2] =	wrdreg s2  }
0xb1: {  	[dreg:$0x3] =	wrdreg s19  }
0xb2: {  	[dreg:$0x4] =	wrdreg s4  }
0xb3: {  	[dreg:$0x5] =	wrdreg $0x9  }
0xb4: {  	_ =	task.clear_ibuf [dreg:s9], $0x6FFFF;
	_ =	strace $0x90000046  }
0xb5: {  	s29 =	simm.s32 $0x9;
	_ =	strace $0x80000048  }
0xb6: {  	_ =	swait.ge [sflag:s29], $0x1  }
0xb7: {  	[sflag:s29] =	ssyncadd.s32 $0xFFFFFFFF  }
0xb8: {  	_ =	strace $0x90000048  }
0xb9: {  	_ =	sfence  }
0xba: {  	s30 =	sld [smem:$0x0];
	_ =	sdelay $0x2  }
0xbb: {  	s31 =	sshll.u32 s1, $0xD;
	s1 =	sshrl.u32 s1, $0x2  }
0xbc: {  	s3 =	sand.u32 $0x4000, s31;
	s1 =	sadd.s32 s1, s30  }
0xbd: {  	s0 =	sor.u32 s3, s0;
	s1 =	sshll.u32 s1, $0x11  }
0xbe: {  	s0 =	sor.u32 s1, s0  }
0xbf: {  	s0 =	sadd.s32 $0x8F2B, s0  }
0xc0: {  	[sflag:s0] =	ssyncadd.remote.s32 $0x1  }
0xc1: {  	_ =	sfence.sel $0xFFFF  }
0xc2: {  	[dreg:$0x0] =	wrdreg $0xFFFFFFFF;
	(pc) =	sbr.abs _section_cstart, $3  }
0xc3: {  	[dreg:$0x1] =	wrdreg $0xFFFFFFFF  }
0xc4: {  	_ =	task.clear_ibuf [dreg:s9], $0x2FFFF;
	_ =	strace $0x9FFFFFFF  }
0xc5: {  	(tm) =	ssettm $0x7FFFFFFF  }
tec
execute0_lowered:
.L_overlay_start_1:
0x0: {  	(tag) =	ssettag $0x1  }
0x1: {  	s4 =	stileid.u32;
	s0 =	rddreg [dreg:$0x0]  }
0x2: {  	s1 =	srdreg.scid;
	s7 =	rddreg [dreg:$0x2];
	s2 =	sshll.u32 s4, $0x1  }
0x3: {  	s1 =	sand.u32 $0x1, s1;
	s4 =	sshrl.u32 s4, $0x2;
	s3 =	sand.u32 $0x6, s2  }
0x4: {  	s2 =	rddreg [dreg:$0x1];
	s6 =	smul.u32 $0x300000, s4;
	s5 =	sor.u32 s1, s3  }
0x5: {  	s4 =	sshll.u32 s4, $0x4;
	s3 =	simm.s32 $0x0;
	s8 =	smul.u32 $0x60000, s5  }
0x6: {  	s26 =	simm.s32 $0x80;
	s0 =	sadd.s32 s0, s4;
	[smem:$0x7FF] =	sst s3  }
0x7: {  	s5 =	sshll.u32 s5, $0x8;
	_ =	strace $0x80000047;
	s6 =	sadd.s32 s6, s8  }
0x8: {  	s0 =	sadd.s32 s5, s0;
	[dreg:$0x14] =	wrdreg s26;
	s9 =	sshrl.u32 s6, $0x3  }
0x9: {  	[dreg:$0x4] =	wrdreg s0;
	s7 =	sadd.s32 s7, s9  }
0xa: {  	s10 =	sadd.s32 $0xC00, s7;
	[dreg:$0x15] =	wrdreg s7  }
0xb: {  	s11 =	sadd.s32 $0x1800, s7;
	[dreg:$0x5] =	wrdreg s10  }
0xc: {  	s12 =	sadd.s32 $0x2400, s7;
	[dreg:$0x6] =	wrdreg s11  }
0xd: {  	s13 =	sadd.s32 $0x3000, s7;
	[dreg:$0x7] =	wrdreg s12  }
0xe: {  	s28 =	simm.s32 $0x3;
	s14 =	sadd.s32 $0x3C00, s7;
	[dreg:$0x8] =	wrdreg s13  }
0xf: {  	s29 =	simm.s32 $0x8;
	s15 =	sadd.s32 $0x4800, s7;
	[dreg:$0x9] =	wrdreg s14  }
0x10: {  	s30 =	simm.s32 $0x4;
	s16 =	sadd.s32 $0x5400, s7;
	[dreg:$0xa] =	wrdreg s15  }
0x11: {  	s31 =	simm.s32 $0x9;
	s17 =	sadd.s32 $0x6000, s7;
	[dreg:$0xb] =	wrdreg s16  }
0x12: {  	s1 =	ssub.s32 $0x2, s1;
	s18 =	sadd.s32 $0x6C00, s7;
	[dreg:$0xc] =	wrdreg s17  }
0x13: {  	s4 =	simm.s32 $0x6200;
	s19 =	sadd.s32 $0x7800, s7;
	[dreg:$0xd] =	wrdreg s18  }
0x14: {  	s21 =	sshrl.u32 s1, $0x1;
	s20 =	sadd.s32 $0x8400, s7;
	[dreg:$0xe] =	wrdreg s19  }
0x15: {  	s1 =	ssub.s32 s1, s21;
	s22 =	sadd.s32 $0x9000, s7;
	[dreg:$0xf] =	wrdreg s20  }
0x16: {  	s5 =	sadd.s32 $0x100, s2;
	s23 =	sadd.s32 $0x9C00, s7;
	[dreg:$0x10] =	wrdreg s22  }
0x17: {  	s26 =	simm.s32 $0x7;
	s24 =	sadd.s32 $0xA800, s7;
	[dreg:$0x11] =	wrdreg s23  }
0x18: {  	s6 =	sadd.s32 $0x200, s2;
	s25 =	sadd.s32 $0xB400, s7;
	[dreg:$0x12] =	wrdreg s24  }
0x19: {  	v2 =	vlaneseq.u32;
	s7 =	smax.u32 s1, $0x1;
	s1 =	simm.s32 $0x5;
	[dreg:$0x13] =	wrdreg s25  }
0x1a: {  	vm0 =	vmmov $0xffff;
	v1 =	vshrl.u32 v2, $0x3;
	s19 =	simm.s32 $0x200;
	s23 =	simm.s32 $0x1;
	s24 =	simm.s32 $0x6  }
0x1b: {  	v0 =	vand.u32 $0x7, v2;
	v2 =	vor.u32 $0x8, v2;
	v1 =	vmul.u32 $0x8, v1;
	s25 =	simm.s32 $0x2;
	s22 =	simm.s32 $0xA;
	s20 =	simm.s32 $0xC200  }
.LBB2_1:
0x1c: {  	s10 =	rddreg [dreg:$0x4]  }
0x1d: {  	s11 =	rddreg [dreg:$0x14];
	s14 =	simm.s32 $0xB  }
0x1e: {  	[tilespmem:s3], [sflag:$0xB] =	stream.strided.gather [hbm4b:s10+s11], $0x200, s19, s11, $0x38;
	[tilespmem:$0x1E200] =	vst v63  }
0x1f: {  	_ =	swait.ge [sflag:s14], $0x200  }
0x20: {  	[sflag:s14] =	ssyncset.done $0x0  }
0x21: {  	[sflag:s14] =	ssyncadd.s32 $0xFFFFFE00  }
0x22: {  	v3 =	vld [tilespmem:$0x0];
	_ =	sdelay $0x4  }
0x23: {  	v4 =	vshrl.u32 v3, $0x3  }
0x24: {  	v4 =	vmul.u32 $0x30, v4  }
0x25: {  	v3 =	vand.u32 $0x7, v3  }
0x26: {  	v3 =	vor.u32 v3, v4  }
0x27: {  	v4 =	vperm.xlane v3, v0;
	_ =	sdelay $0x1  }
0x28: {  	v4 =	vadd.s32 v1, v4;
	_ =	sdelay $0x3  }
0x29: {  	v3 =	vperm.xlane v3, v2  }
0x2a: {  	[tilespmem:s19], [sflag:$0x1] =	stream.indirect_vreg.gather [hbm4b:s2+s3], $0x80, v4, vm0, $0xb8;
	[tilespmem:$0x1E200] =	vst v63  }
0x2b: {  	s0 =	simm.s32 $0xA00;
	v3 =	vadd.s32 v1, v3  }
0x2c: {  	[tilespmem:s0], [sflag:$0x1] =	stream.indirect_vreg.gather [hbm4b:s5+s3], $0x80, v4, vm0, $0xb8;
	[tilespmem:$0x1E200] =	vst v63  }
0x2d: {  	s15 =	simm.s32 $0x1200  }
0x2e: {  	[tilespmem:s15], [sflag:$0x1] =	stream.indirect_vreg.gather [hbm4b:s6+s3], $0x80, v4, vm0, $0xb8;
	[tilespmem:$0x1E200] =	vst v63  }
0x2f: {  	s16 =	simm.s32 $0x1A00  }
0x30: {  	[tilespmem:s16], [sflag:$0x1] =	stream.indirect_vreg.gather [hbm4b:s2+s3], $0x80, v3, vm0, $0xb8;
	[tilespmem:$0x1E200] =	vst v63  }
0x31: {  	s17 =	simm.s32 $0x2200  }
0x32: {  	[tilespmem:s17], [sflag:$0x1] =	stream.indirect_vreg.gather [hbm4b:s5+s3], $0x80, v3, vm0, $0xb8;
	[tilespmem:$0x1E200] =	vst v63  }
0x33: {  	s18 =	simm.s32 $0x2A00  }
0x34: {  	[tilespmem:s18], [sflag:$0x1] =	stream.indirect_vreg.gather [hbm4b:s6+s3], $0x80, v3, vm0, $0xb8;
	[tilespmem:$0x1E200] =	vst v63  }
0x35: {  	v3 =	vld [tilespmem:$0x10];
	_ =	sdelay $0x4  }
0x36: {  	v33 =	vshrl.u32 v3, $0x3  }
0x37: {  	v4 =	vmul.u32 $0x30, v33  }
0x38: {  	v3 =	vand.u32 $0x7, v3  }
0x39: {  	v3 =	vor.u32 v3, v4  }
0x3a: {  	v4 =	vperm.xlane v3, v0;
	_ =	sdelay $0x1  }
0x3b: {  	v4 =	vadd.s32 v1, v4;
	_ =	sdelay $0x3  }
0x3c: {  	s21 =	simm.s32 $0x3200;
	v3 =	vperm.xlane v3, v2  }
0x3d: {  	[tilespmem:s21], [sflag:$0x1] =	stream.indirect_vreg.gather [hbm4b:s2+s3], $0x80, v4, vm0, $0xb8;
	[tilespmem:$0x1E200] =	vst v63  }
0x3e: {  	s8 =	simm.s32 $0x3A00;
	v3 =	vadd.s32 v1, v3  }
0x3f: {  	[tilespmem:s8], [sflag:$0x1] =	stream.indirect_vreg.gather [hbm4b:s5+s3], $0x80, v4, vm0, $0xb8;
	[tilespmem:$0x1E200] =	vst v63  }
0x40: {  	s9 =	simm.s32 $0x4200  }
0x41: {  	[tilespmem:s9], [sflag:$0x1] =	stream.indirect_vreg.gather [hbm4b:s6+s3], $0x80, v4, vm0, $0xb8;
	[tilespmem:$0x1E200] =	vst v63  }
0x42: {  	s10 =	simm.s32 $0x4A00  }
0x43: {  	[tilespmem:s10], [sflag:$0x1] =	stream.indirect_vreg.gather [hbm4b:s2+s3], $0x80, v3, vm0, $0xb8;
	[tilespmem:$0x1E200] =	vst v63  }
0x44: {  	s11 =	simm.s32 $0x5200  }
0x45: {  	[tilespmem:s11], [sflag:$0x1] =	stream.indirect_vreg.gather [hbm4b:s5+s3], $0x80, v3, vm0, $0xb8;
	[tilespmem:$0x1E200] =	vst v63  }
0x46: {  	s12 =	simm.s32 $0x5A00  }
0x47: {  	[tilespmem:s12], [sflag:$0x1] =	stream.indirect_vreg.gather [hbm4b:s6+s3], $0x80, v3, vm0, $0xb8;
	[tilespmem:$0x1E200] =	vst v63  }
0x48: {  	v3 =	vld [tilespmem:$0x20];
	_ =	sdelay $0x4  }
0x49: {  	v34 =	vshrl.u32 v3, $0x3  }
0x4a: {  	v4 =	vmul.u32 $0x30, v34  }
0x4b: {  	v3 =	vand.u32 $0x7, v3  }
0x4c: {  	v3 =	vor.u32 v3, v4  }
0x4d: {  	v4 =	vperm.xlane v3, v0;
	_ =	sdelay $0x1  }
0x4e: {  	v4 =	vadd.s32 v1, v4;
	_ =	sdelay $0x3  }
0x4f: {  	v3 =	vperm.xlane v3, v2  }
0x50: {  	[tilespmem:s4], [sflag:$0x2] =	stream.indirect_vreg.gather [hbm4b:s2+s3], $0x80, v4, vm0, $0xb8;
	[tilespmem:$0x1E200] =	vst v63  }
0x51: {  	s13 =	simm.s32 $0x6A00;
	v3 =	vadd.s32 v1, v3  }
0x52: {  	[tilespmem:s13], [sflag:$0x2] =	stream.indirect_vreg.gather [hbm4b:s5+s3], $0x80, v4, vm0, $0xb8;
	[tilespmem:$0x1E200] =	vst v63  }
0x53: {  	s14 =	simm.s32 $0x7200  }
0x54: {  	[tilespmem:s14], [sflag:$0x2] =	stream.indirect_vreg.gather [hbm4b:s6+s3], $0x80, v4, vm0, $0xb8;
	[tilespmem:$0x1E200] =	vst v63  }
0x55: {  	s17 =	simm.s32 $0x7A00  }
0x56: {  	[tilespmem:s17], [sflag:$0x2] =	stream.indirect_vreg.gather [hbm4b:s2+s3], $0x80, v3, vm0, $0xb8;
	[tilespmem:$0x1E200] =	vst v63  }
0x57: {  	s18 =	simm.s32 $0x8200  }
0x58: {  	[tilespmem:s18], [sflag:$0x2] =	stream.indirect_vreg.gather [hbm4b:s5+s3], $0x80, v3, vm0, $0xb8;
	[tilespmem:$0x1E200] =	vst v63  }
0x59: {  	s21 =	simm.s32 $0x8A00  }
0x5a: {  	[tilespmem:s21], [sflag:$0x2] =	stream.indirect_vreg.gather [hbm4b:s6+s3], $0x80, v3, vm0, $0xb8;
	[tilespmem:$0x1E200] =	vst v63  }
0x5b: {  	v3 =	vld [tilespmem:$0x30];
	_ =	sdelay $0x4  }
0x5c: {  	v35 =	vshrl.u32 v3, $0x3  }
0x5d: {  	v4 =	vmul.u32 $0x30, v35  }
0x5e: {  	v3 =	vand.u32 $0x7, v3  }
0x5f: {  	v3 =	vor.u32 v3, v4  }
0x60: {  	v4 =	vperm.xlane v3, v0;
	_ =	sdelay $0x1  }
0x61: {  	v4 =	vadd.s32 v1, v4;
	_ =	sdelay $0x3  }
0x62: {  	s8 =	simm.s32 $0x9200;
	v3 =	vperm.xlane v3, v2  }
0x63: {  	[tilespmem:s8], [sflag:$0x2] =	stream.indirect_vreg.gather [hbm4b:s2+s3], $0x80, v4, vm0, $0xb8;
	[tilespmem:$0x1E200] =	vst v63  }
0x64: {  	s9 =	simm.s32 $0x9A00;
	v3 =	vadd.s32 v1, v3  }
0x65: {  	[tilespmem:s9], [sflag:$0x2] =	stream.indirect_vreg.gather [hbm4b:s5+s3], $0x80, v4, vm0, $0xb8;
	[tilespmem:$0x1E200] =	vst v63  }
0x66: {  	s10 =	simm.s32 $0xA200  }
0x67: {  	[tilespmem:s10], [sflag:$0x2] =	stream.indirect_vreg.gather [hbm4b:s6+s3], $0x80, v4, vm0, $0xb8;
	[tilespmem:$0x1E200] =	vst v63  }
0x68: {  	s12 =	simm.s32 $0xAA00  }
0x69: {  	[tilespmem:s12], [sflag:$0x2] =	stream.indirect_vreg.gather [hbm4b:s2+s3], $0x80, v3, vm0, $0xb8;
	[tilespmem:$0x1E200] =	vst v63  }
0x6a: {  	s13 =	simm.s32 $0xB200  }
0x6b: {  	[tilespmem:s13], [sflag:$0x2] =	stream.indirect_vreg.gather [hbm4b:s5+s3], $0x80, v3, vm0, $0xb8;
	[tilespmem:$0x1E200] =	vst v63  }
0x6c: {  	s14 =	simm.s32 $0xBA00  }
0x6d: {  	[tilespmem:s14], [sflag:$0x2] =	stream.indirect_vreg.gather [hbm4b:s6+s3], $0x80, v3, vm0, $0xb8;
	[tilespmem:$0x1E200] =	vst v63  }
0x6e: {  	v3 =	vld [tilespmem:$0x40];
	_ =	sdelay $0x4  }
0x6f: {  	v36 =	vshrl.u32 v3, $0x3  }
0x70: {  	v4 =	vmul.u32 $0x30, v36  }
0x71: {  	v3 =	vand.u32 $0x7, v3  }
0x72: {  	v3 =	vor.u32 v3, v4  }
0x73: {  	v4 =	vperm.xlane v3, v0;
	_ =	sdelay $0x1  }
0x74: {  	v4 =	vadd.s32 v1, v4;
	_ =	sdelay $0x3  }
0x75: {  	v3 =	vperm.xlane v3, v2  }
0x76: {  	[tilespmem:s20], [sflag:$0x3] =	stream.indirect_vreg.gather [hbm4b:s2+s3], $0x80, v4, vm0, $0xb8;
	[tilespmem:$0x1E200] =	vst v63  }
0x77: {  	s17 =	simm.s32 $0xCA00;
	v3 =	vadd.s32 v1, v3  }
0x78: {  	[tilespmem:s17], [sflag:$0x3] =	stream.indirect_vreg.gather [hbm4b:s5+s3], $0x80, v4, vm0, $0xb8;
	[tilespmem:$0x1E200] =	vst v63  }
0x79: {  	s18 =	simm.s32 $0xD200  }
0x7a: {  	[tilespmem:s18], [sflag:$0x3] =	stream.indirect_vreg.gather [hbm4b:s6+s3], $0x80, v4, vm0, $0xb8;
	[tilespmem:$0x1E200] =	vst v63  }
0x7b: {  	s8 =	simm.s32 $0xDA00  }
0x7c: {  	[tilespmem:s8], [sflag:$0x3] =	stream.indirect_vreg.gather [hbm4b:s2+s3], $0x80, v3, vm0, $0xb8;
	[tilespmem:$0x1E200] =	vst v63  }
0x7d: {  	s9 =	simm.s32 $0xE200  }
0x7e: {  	[tilespmem:s9], [sflag:$0x3] =	stream.indirect_vreg.gather [hbm4b:s5+s3], $0x80, v3, vm0, $0xb8;
	[tilespmem:$0x1E200] =	vst v63  }
0x7f: {  	s10 =	simm.s32 $0xEA00  }
0x80: {  	[tilespmem:s10], [sflag:$0x3] =	stream.indirect_vreg.gather [hbm4b:s6+s3], $0x80, v3, vm0, $0xb8;
	[tilespmem:$0x1E200] =	vst v63  }
0x81: {  	v3 =	vld [tilespmem:$0x50];
	_ =	sdelay $0x4  }
0x82: {  	v37 =	vshrl.u32 v3, $0x3  }
0x83: {  	v4 =	vmul.u32 $0x30, v37  }
0x84: {  	v3 =	vand.u32 $0x7, v3  }
0x85: {  	v3 =	vor.u32 v3, v4  }
0x86: {  	v4 =	vperm.xlane v3, v0;
	_ =	sdelay $0x1  }
0x87: {  	v4 =	vadd.s32 v1, v4;
	_ =	sdelay $0x3  }
0x88: {  	s12 =	simm.s32 $0xF200;
	v3 =	vperm.xlane v3, v2  }
0x89: {  	[tilespmem:s12], [sflag:$0x3] =	stream.indirect_vreg.gather [hbm4b:s2+s3], $0x80, v4, vm0, $0xb8;
	[tilespmem:$0x1E200] =	vst v63  }
0x8a: {  	s13 =	simm.s32 $0xFA00;
	v3 =	vadd.s32 v1, v3  }
0x8b: {  	[tilespmem:s13], [sflag:$0x3] =	stream.indirect_vreg.gather [hbm4b:s5+s3], $0x80, v4, vm0, $0xb8;
	[tilespmem:$0x1E200] =	vst v63  }
0x8c: {  	s14 =	simm.s32 $0x10200  }
0x8d: {  	[tilespmem:s14], [sflag:$0x3] =	stream.indirect_vreg.gather [hbm4b:s6+s3], $0x80, v4, vm0, $0xb8;
	[tilespmem:$0x1E200] =	vst v63  }
0x8e: {  	s17 =	simm.s32 $0x10A00  }
0x8f: {  	[tilespmem:s17], [sflag:$0x3] =	stream.indirect_vreg.gather [hbm4b:s2+s3], $0x80, v3, vm0, $0xb8;
	[tilespmem:$0x1E200] =	vst v63  }
0x90: {  	s18 =	simm.s32 $0x11200  }
0x91: {  	[tilespmem:s18], [sflag:$0x3] =	stream.indirect_vreg.gather [hbm4b:s5+s3], $0x80, v3, vm0, $0xb8;
	[tilespmem:$0x1E200] =	vst v63  }
0x92: {  	s8 =	simm.s32 $0x11A00  }
0x93: {  	[tilespmem:s8], [sflag:$0x3] =	stream.indirect_vreg.gather [hbm4b:s6+s3], $0x80, v3, vm0, $0xb8;
	[tilespmem:$0x1E200] =	vst v63  }
0x94: {  	v3 =	vld [tilespmem:$0x60];
	_ =	sdelay $0x4  }
0x95: {  	v38 =	vshrl.u32 v3, $0x3  }
0x96: {  	v4 =	vmul.u32 $0x30, v38  }
0x97: {  	v3 =	vand.u32 $0x7, v3  }
0x98: {  	v3 =	vor.u32 v3, v4  }
0x99: {  	v4 =	vperm.xlane v3, v0;
	_ =	sdelay $0x1  }
0x9a: {  	v4 =	vadd.s32 v1, v4;
	_ =	sdelay $0x3  }
0x9b: {  	s0 =	simm.s32 $0x12200;
	v3 =	vperm.xlane v3, v2  }
0x9c: {  	[tilespmem:s0], [sflag:$0x4] =	stream.indirect_vreg.gather [hbm4b:s2+s3], $0x80, v4, vm0, $0xb8;
	[tilespmem:$0x1E200] =	vst v63  }
0x9d: {  	s8 =	simm.s32 $0x12A00;
	v3 =	vadd.s32 v1, v3  }
0x9e: {  	[tilespmem:s8], [sflag:$0x4] =	stream.indirect_vreg.gather [hbm4b:s5+s3], $0x80, v4, vm0, $0xb8;
	[tilespmem:$0x1E200] =	vst v63  }
0x9f: {  	s9 =	simm.s32 $0x13200  }
0xa0: {  	[tilespmem:s9], [sflag:$0x4] =	stream.indirect_vreg.gather [hbm4b:s6+s3], $0x80, v4, vm0, $0xb8;
	[tilespmem:$0x1E200] =	vst v63  }
0xa1: {  	s10 =	simm.s32 $0x13A00  }
0xa2: {  	[tilespmem:s10], [sflag:$0x4] =	stream.indirect_vreg.gather [hbm4b:s2+s3], $0x80, v3, vm0, $0xb8;
	[tilespmem:$0x1E200] =	vst v63  }
0xa3: {  	s12 =	simm.s32 $0x14200  }
0xa4: {  	[tilespmem:s12], [sflag:$0x4] =	stream.indirect_vreg.gather [hbm4b:s5+s3], $0x80, v3, vm0, $0xb8;
	[tilespmem:$0x1E200] =	vst v63  }
0xa5: {  	s13 =	simm.s32 $0x14A00  }
0xa6: {  	[tilespmem:s13], [sflag:$0x4] =	stream.indirect_vreg.gather [hbm4b:s6+s3], $0x80, v3, vm0, $0xb8;
	[tilespmem:$0x1E200] =	vst v63  }
0xa7: {  	v3 =	vld [tilespmem:$0x70];
	_ =	sdelay $0x4  }
0xa8: {  	v39 =	vshrl.u32 v3, $0x3  }
0xa9: {  	v4 =	vmul.u32 $0x30, v39  }
0xaa: {  	v3 =	vand.u32 $0x7, v3  }
0xab: {  	v3 =	vor.u32 v3, v4  }
0xac: {  	v4 =	vperm.xlane v3, v0;
	_ =	sdelay $0x1  }
0xad: {  	v4 =	vadd.s32 v1, v4;
	_ =	sdelay $0x3  }
0xae: {  	s14 =	simm.s32 $0x15200;
	v3 =	vperm.xlane v3, v2  }
0xaf: {  	[tilespmem:s14], [sflag:$0x4] =	stream.indirect_vreg.gather [hbm4b:s2+s3], $0x80, v4, vm0, $0xb8;
	[tilespmem:$0x1E200] =	vst v63  }
0xb0: {  	s17 =	simm.s32 $0x15A00;
	v3 =	vadd.s32 v1, v3  }
0xb1: {  	[tilespmem:s17], [sflag:$0x4] =	stream.indirect_vreg.gather [hbm4b:s5+s3], $0x80, v4, vm0, $0xb8;
	[tilespmem:$0x1E200] =	vst v63  }
0xb2: {  	s18 =	simm.s32 $0x16200  }
0xb3: {  	[tilespmem:s18], [sflag:$0x4] =	stream.indirect_vreg.gather [hbm4b:s6+s3], $0x80, v4, vm0, $0xb8;
	[tilespmem:$0x1E200] =	vst v63  }
0xb4: {  	s9 =	simm.s32 $0x16A00  }
0xb5: {  	[tilespmem:s9], [sflag:$0x4] =	stream.indirect_vreg.gather [hbm4b:s2+s3], $0x80, v3, vm0, $0xb8;
	[tilespmem:$0x1E200] =	vst v63  }
0xb6: {  	s10 =	simm.s32 $0x17200  }
0xb7: {  	[tilespmem:s10], [sflag:$0x4] =	stream.indirect_vreg.gather [hbm4b:s5+s3], $0x80, v3, vm0, $0xb8;
	[tilespmem:$0x1E200] =	vst v63  }
0xb8: {  	s12 =	simm.s32 $0x17A00  }
0xb9: {  	[tilespmem:s12], [sflag:$0x4] =	stream.indirect_vreg.gather [hbm4b:s6+s3], $0x80, v3, vm0, $0xb8;
	[tilespmem:$0x1E200] =	vst v63  }
0xba: {  	v3 =	vld [tilespmem:$0x80];
	_ =	sdelay $0x4  }
0xbb: {  	v40 =	vshrl.u32 v3, $0x3  }
0xbc: {  	v4 =	vmul.u32 $0x30, v40  }
0xbd: {  	v3 =	vand.u32 $0x7, v3  }
0xbe: {  	v3 =	vor.u32 v3, v4  }
0xbf: {  	v4 =	vperm.xlane v3, v0;
	_ =	sdelay $0x1  }
0xc0: {  	v4 =	vadd.s32 v1, v4;
	_ =	sdelay $0x3  }
0xc1: {  	s8 =	simm.s32 $0x18200;
	v3 =	vperm.xlane v3, v2  }
0xc2: {  	[tilespmem:s8], [sflag:$0x5] =	stream.indirect_vreg.gather [hbm4b:s2+s3], $0x80, v4, vm0, $0xb8;
	[tilespmem:$0x1E200] =	vst v63  }
0xc3: {  	s9 =	simm.s32 $0x18A00;
	v3 =	vadd.s32 v1, v3  }
0xc4: {  	[tilespmem:s9], [sflag:$0x5] =	stream.indirect_vreg.gather [hbm4b:s5+s3], $0x80, v4, vm0, $0xb8;
	[tilespmem:$0x1E200] =	vst v63  }
0xc5: {  	s13 =	simm.s32 $0x19200  }
0xc6: {  	[tilespmem:s13], [sflag:$0x5] =	stream.indirect_vreg.gather [hbm4b:s6+s3], $0x80, v4, vm0, $0xb8;
	[tilespmem:$0x1E200] =	vst v63  }
0xc7: {  	s14 =	simm.s32 $0x19A00  }
0xc8: {  	[tilespmem:s14], [sflag:$0x5] =	stream.indirect_vreg.gather [hbm4b:s2+s3], $0x80, v3, vm0, $0xb8;
	[tilespmem:$0x1E200] =	vst v63  }
0xc9: {  	s17 =	simm.s32 $0x1A200  }
0xca: {  	[tilespmem:s17], [sflag:$0x5] =	stream.indirect_vreg.gather [hbm4b:s5+s3], $0x80, v3, vm0, $0xb8;
	[tilespmem:$0x1E200] =	vst v63  }
0xcb: {  	s18 =	simm.s32 $0x1AA00  }
0xcc: {  	[tilespmem:s18], [sflag:$0x5] =	stream.indirect_vreg.gather [hbm4b:s6+s3], $0x80, v3, vm0, $0xb8;
	[tilespmem:$0x1E200] =	vst v63  }
0xcd: {  	v3 =	vld [tilespmem:$0x90];
	_ =	sdelay $0x4  }
0xce: {  	v41 =	vshrl.u32 v3, $0x3  }
0xcf: {  	v4 =	vmul.u32 $0x30, v41  }
0xd0: {  	v3 =	vand.u32 $0x7, v3  }
0xd1: {  	v3 =	vor.u32 v3, v4  }
0xd2: {  	v4 =	vperm.xlane v3, v0;
	_ =	sdelay $0x1  }
0xd3: {  	v4 =	vadd.s32 v1, v4;
	_ =	sdelay $0x3  }
0xd4: {  	s10 =	simm.s32 $0x1B200;
	v3 =	vperm.xlane v3, v2  }
0xd5: {  	[tilespmem:s10], [sflag:$0x5] =	stream.indirect_vreg.gather [hbm4b:s2+s3], $0x80, v4, vm0, $0xb8;
	[tilespmem:$0x1E200] =	vst v63  }
0xd6: {  	s12 =	simm.s32 $0x1BA00;
	v3 =	vadd.s32 v1, v3  }
0xd7: {  	[tilespmem:s12], [sflag:$0x5] =	stream.indirect_vreg.gather [hbm4b:s5+s3], $0x80, v4, vm0, $0xb8;
	[tilespmem:$0x1E200] =	vst v63  }
0xd8: {  	s13 =	simm.s32 $0x1C200  }
0xd9: {  	[tilespmem:s13], [sflag:$0x5] =	stream.indirect_vreg.gather [hbm4b:s6+s3], $0x80, v4, vm0, $0xb8;
	[tilespmem:$0x1E200] =	vst v63  }
0xda: {  	s14 =	simm.s32 $0x1CA00  }
0xdb: {  	[tilespmem:s14], [sflag:$0x5] =	stream.indirect_vreg.gather [hbm4b:s2+s3], $0x80, v3, vm0, $0xb8;
	[tilespmem:$0x1E200] =	vst v63  }
0xdc: {  	s17 =	simm.s32 $0x1D200  }
0xdd: {  	[tilespmem:s17], [sflag:$0x5] =	stream.indirect_vreg.gather [hbm4b:s5+s3], $0x80, v3, vm0, $0xb8;
	[tilespmem:$0x1E200] =	vst v63  }
0xde: {  	s18 =	simm.s32 $0x1DA00  }
0xdf: {  	[tilespmem:s18], [sflag:$0x5] =	stream.indirect_vreg.gather [hbm4b:s6+s3], $0x80, v3, vm0, $0xb8;
	[tilespmem:$0x1E200] =	vst v63  }
0xe0: {  	_ =	swait.ge [sflag:s23], $0x6000  }
0xe1: {  	[sflag:s23] =	ssyncset.done $0x0  }
0xe2: {  	s9 =	rddreg [dreg:$0x15];
	[sflag:s23] =	ssyncadd.s32 $0xFFFFA000  }
0xe3: {  	[hbm4b:s9+s3] =	stream.linear.scatter [tilespmem:s19], [sflag:$0x6], $0x6000, $0x38;
	[tilespmem:$0x1E200] =	vst v63  }
0xe4: {  	_ =	swait.ge [sflag:s24], $0x6000  }
0xe5: {  	[sflag:s24] =	ssyncset.done $0x0  }
0xe6: {  	[sflag:s24] =	ssyncadd.s32 $0xFFFFA000  }
0xe7: {  	v3 =	vld [tilespmem:$0xA0];
	_ =	sdelay $0x4  }
0xe8: {  	v42 =	vshrl.u32 v3, $0x3  }
0xe9: {  	v4 =	vmul.u32 $0x30, v42  }
0xea: {  	v3 =	vand.u32 $0x7, v3  }
0xeb: {  	v3 =	vor.u32 v3, v4  }
0xec: {  	v4 =	vperm.xlane v3, v0;
	_ =	sdelay $0x1  }
0xed: {  	v4 =	vadd.s32 v1, v4;
	_ =	sdelay $0x3  }
0xee: {  	v3 =	vperm.xlane v3, v2  }
0xef: {  	[tilespmem:s19], [sflag:$0x1] =	stream.indirect_vreg.gather [hbm4b:s2+s3], $0x80, v4, vm0, $0xb8;
	[tilespmem:$0x1E200] =	vst v63  }
0xf0: {  	s9 =	simm.s32 $0xA00;
	v3 =	vadd.s32 v1, v3  }
0xf1: {  	[tilespmem:s9], [sflag:$0x1] =	stream.indirect_vreg.gather [hbm4b:s5+s3], $0x80, v4, vm0, $0xb8;
	[tilespmem:$0x1E200] =	vst v63  }
0xf2: {  	s12 =	simm.s32 $0x1200  }
0xf3: {  	[tilespmem:s12], [sflag:$0x1] =	stream.indirect_vreg.gather [hbm4b:s6+s3], $0x80, v4, vm0, $0xb8;
	[tilespmem:$0x1E200] =	vst v63  }
0xf4: {  	s13 =	simm.s32 $0x1A00  }
0xf5: {  	[tilespmem:s13], [sflag:$0x1] =	stream.indirect_vreg.gather [hbm4b:s2+s3], $0x80, v3, vm0, $0xb8;
	[tilespmem:$0x1E200] =	vst v63  }
0xf6: {  	s14 =	simm.s32 $0x2200  }
0xf7: {  	[tilespmem:s14], [sflag:$0x1] =	stream.indirect_vreg.gather [hbm4b:s5+s3], $0x80, v3, vm0, $0xb8;
	[tilespmem:$0x1E200] =	vst v63  }
0xf8: {  	s15 =	simm.s32 $0x2A00  }
0xf9: {  	[tilespmem:s15], [sflag:$0x1] =	stream.indirect_vreg.gather [hbm4b:s6+s3], $0x80, v3, vm0, $0xb8;
	[tilespmem:$0x1E200] =	vst v63  }
0xfa: {  	v3 =	vld [tilespmem:$0xB0];
	_ =	sdelay $0x4  }
0xfb: {  	v43 =	vshrl.u32 v3, $0x3  }
0xfc: {  	v4 =	vmul.u32 $0x30, v43  }
0xfd: {  	v3 =	vand.u32 $0x7, v3  }
0xfe: {  	v3 =	vor.u32 v3, v4  }
0xff: {  	v4 =	vperm.xlane v3, v0;
	_ =	sdelay $0x1  }
0x100: {  	v4 =	vadd.s32 v1, v4;
	_ =	sdelay $0x3  }
0x101: {  	s16 =	simm.s32 $0x3200;
	v3 =	vperm.xlane v3, v2  }
0x102: {  	[tilespmem:s16], [sflag:$0x1] =	stream.indirect_vreg.gather [hbm4b:s2+s3], $0x80, v4, vm0, $0xb8;
	[tilespmem:$0x1E200] =	vst v63  }
0x103: {  	s15 =	simm.s32 $0x3A00;
	v3 =	vadd.s32 v1, v3  }
0x104: {  	[tilespmem:s15], [sflag:$0x1] =	stream.indirect_vreg.gather [hbm4b:s5+s3], $0x80, v4, vm0, $0xb8;
	[tilespmem:$0x1E200] =	vst v63  }
0x105: {  	s16 =	simm.s32 $0x4200  }
0x106: {  	[tilespmem:s16], [sflag:$0x1] =	stream.indirect_vreg.gather [hbm4b:s6+s3], $0x80, v4, vm0, $0xb8;
	[tilespmem:$0x1E200] =	vst v63  }
0x107: {  	s17 =	simm.s32 $0x4A00  }
0x108: {  	[tilespmem:s17], [sflag:$0x1] =	stream.indirect_vreg.gather [hbm4b:s2+s3], $0x80, v3, vm0, $0xb8;
	[tilespmem:$0x1E200] =	vst v63  }
0x109: {  	s18 =	simm.s32 $0x5200  }
0x10a: {  	[tilespmem:s18], [sflag:$0x1] =	stream.indirect_vreg.gather [hbm4b:s5+s3], $0x80, v3, vm0, $0xb8;
	[tilespmem:$0x1E200] =	vst v63  }
0x10b: {  	s11 =	simm.s32 $0x5A00  }
0x10c: {  	[tilespmem:s11], [sflag:$0x1] =	stream.indirect_vreg.gather [hbm4b:s6+s3], $0x80, v3, vm0, $0xb8;
	[tilespmem:$0x1E200] =	vst v63  }
0x10d: {  	_ =	swait.ge [sflag:s25], $0x6000  }
0x10e: {  	[sflag:s25] =	ssyncset.done $0x0  }
0x10f: {  	s11 =	rddreg [dreg:$0x5];
	[sflag:s25] =	ssyncadd.s32 $0xFFFFA000  }
0x110: {  	[hbm4b:s11+s3] =	stream.linear.scatter [tilespmem:s4], [sflag:$0x7], $0x6000, $0x38;
	[tilespmem:$0x1E200] =	vst v63  }
0x111: {  	_ =	swait.ge [sflag:s26], $0x6000  }
0x112: {  	[sflag:s26] =	ssyncset.done $0x0  }
0x113: {  	[sflag:s26] =	ssyncadd.s32 $0xFFFFA000  }
0x114: {  	v3 =	vld [tilespmem:$0xC0];
	_ =	sdelay $0x4  }
0x115: {  	v44 =	vshrl.u32 v3, $0x3  }
0x116: {  	v4 =	vmul.u32 $0x30, v44  }
0x117: {  	v3 =	vand.u32 $0x7, v3  }
0x118: {  	v3 =	vor.u32 v3, v4  }
0x119: {  	v4 =	vperm.xlane v3, v0;
	_ =	sdelay $0x1  }
0x11a: {  	v4 =	vadd.s32 v1, v4;
	_ =	sdelay $0x3  }
0x11b: {  	v3 =	vperm.xlane v3, v2  }
0x11c: {  	[tilespmem:s4], [sflag:$0x2] =	stream.indirect_vreg.gather [hbm4b:s2+s3], $0x80, v4, vm0, $0xb8;
	[tilespmem:$0x1E200] =	vst v63  }
0x11d: {  	s11 =	simm.s32 $0x6A00;
	v3 =	vadd.s32 v1, v3  }
0x11e: {  	[tilespmem:s11], [sflag:$0x2] =	stream.indirect_vreg.gather [hbm4b:s5+s3], $0x80, v4, vm0, $0xb8;
	[tilespmem:$0x1E200] =	vst v63  }
0x11f: {  	s11 =	simm.s32 $0x7200  }
0x120: {  	[tilespmem:s11], [sflag:$0x2] =	stream.indirect_vreg.gather [hbm4b:s6+s3], $0x80, v4, vm0, $0xb8;
	[tilespmem:$0x1E200] =	vst v63  }
0x121: {  	s11 =	simm.s32 $0x7A00  }
0x122: {  	[tilespmem:s11], [sflag:$0x2] =	stream.indirect_vreg.gather [hbm4b:s2+s3], $0x80, v3, vm0, $0xb8;
	[tilespmem:$0x1E200] =	vst v63  }
0x123: {  	s11 =	simm.s32 $0x8200  }
0x124: {  	[tilespmem:s11], [sflag:$0x2] =	stream.indirect_vreg.gather [hbm4b:s5+s3], $0x80, v3, vm0, $0xb8;
	[tilespmem:$0x1E200] =	vst v63  }
0x125: {  	s21 =	simm.s32 $0x8A00  }
0x126: {  	[tilespmem:s21], [sflag:$0x2] =	stream.indirect_vreg.gather [hbm4b:s6+s3], $0x80, v3, vm0, $0xb8;
	[tilespmem:$0x1E200] =	vst v63  }
0x127: {  	v3 =	vld [tilespmem:$0xD0];
	_ =	sdelay $0x4  }
0x128: {  	v45 =	vshrl.u32 v3, $0x3  }
0x129: {  	v4 =	vmul.u32 $0x30, v45  }
0x12a: {  	v3 =	vand.u32 $0x7, v3  }
0x12b: {  	v3 =	vor.u32 v3, v4  }
0x12c: {  	v4 =	vperm.xlane v3, v0;
	_ =	sdelay $0x1  }
0x12d: {  	v4 =	vadd.s32 v1, v4;
	_ =	sdelay $0x3  }
0x12e: {  	s21 =	simm.s32 $0x9200;
	v3 =	vperm.xlane v3, v2  }
0x12f: {  	[tilespmem:s21], [sflag:$0x2] =	stream.indirect_vreg.gather [hbm4b:s2+s3], $0x80, v4, vm0, $0xb8;
	[tilespmem:$0x1E200] =	vst v63  }
0x130: {  	s11 =	simm.s32 $0x9A00;
	v3 =	vadd.s32 v1, v3  }
0x131: {  	[tilespmem:s11], [sflag:$0x2] =	stream.indirect_vreg.gather [hbm4b:s5+s3], $0x80, v4, vm0, $0xb8;
	[tilespmem:$0x1E200] =	vst v63  }
0x132: {  	s11 =	simm.s32 $0xA200  }
0x133: {  	[tilespmem:s11], [sflag:$0x2] =	stream.indirect_vreg.gather [hbm4b:s6+s3], $0x80, v4, vm0, $0xb8;
	[tilespmem:$0x1E200] =	vst v63  }
0x134: {  	s11 =	simm.s32 $0xAA00  }
0x135: {  	[tilespmem:s11], [sflag:$0x2] =	stream.indirect_vreg.gather [hbm4b:s2+s3], $0x80, v3, vm0, $0xb8;
	[tilespmem:$0x1E200] =	vst v63  }
0x136: {  	s11 =	simm.s32 $0xB200  }
0x137: {  	[tilespmem:s11], [sflag:$0x2] =	stream.indirect_vreg.gather [hbm4b:s5+s3], $0x80, v3, vm0, $0xb8;
	[tilespmem:$0x1E200] =	vst v63  }
0x138: {  	s11 =	simm.s32 $0xBA00  }
0x139: {  	[tilespmem:s11], [sflag:$0x2] =	stream.indirect_vreg.gather [hbm4b:s6+s3], $0x80, v3, vm0, $0xb8;
	[tilespmem:$0x1E200] =	vst v63  }
0x13a: {  	_ =	swait.ge [sflag:s28], $0x6000  }
0x13b: {  	[sflag:s28] =	ssyncset.done $0x0  }
0x13c: {  	s11 =	rddreg [dreg:$0x6];
	[sflag:s28] =	ssyncadd.s32 $0xFFFFA000  }
0x13d: {  	[hbm4b:s11+s3] =	stream.linear.scatter [tilespmem:s20], [sflag:$0x8], $0x6000, $0x38;
	[tilespmem:$0x1E200] =	vst v63  }
0x13e: {  	_ =	swait.ge [sflag:s29], $0x6000  }
0x13f: {  	[sflag:s29] =	ssyncset.done $0x0  }
0x140: {  	[sflag:s29] =	ssyncadd.s32 $0xFFFFA000  }
0x141: {  	v3 =	vld [tilespmem:$0xE0];
	_ =	sdelay $0x4  }
0x142: {  	v46 =	vshrl.u32 v3, $0x3  }
0x143: {  	v4 =	vmul.u32 $0x30, v46  }
0x144: {  	v3 =	vand.u32 $0x7, v3  }
0x145: {  	v3 =	vor.u32 v3, v4  }
0x146: {  	v4 =	vperm.xlane v3, v0;
	_ =	sdelay $0x1  }
0x147: {  	v4 =	vadd.s32 v1, v4;
	_ =	sdelay $0x3  }
0x148: {  	v3 =	vperm.xlane v3, v2  }
0x149: {  	[tilespmem:s20], [sflag:$0x3] =	stream.indirect_vreg.gather [hbm4b:s2+s3], $0x80, v4, vm0, $0xb8;
	[tilespmem:$0x1E200] =	vst v63  }
0x14a: {  	s11 =	simm.s32 $0xCA00;
	v3 =	vadd.s32 v1, v3  }
0x14b: {  	[tilespmem:s11], [sflag:$0x3] =	stream.indirect_vreg.gather [hbm4b:s5+s3], $0x80, v4, vm0, $0xb8;
	[tilespmem:$0x1E200] =	vst v63  }
0x14c: {  	s11 =	simm.s32 $0xD200  }
0x14d: {  	[tilespmem:s11], [sflag:$0x3] =	stream.indirect_vreg.gather [hbm4b:s6+s3], $0x80, v4, vm0, $0xb8;
	[tilespmem:$0x1E200] =	vst v63  }
0x14e: {  	s11 =	simm.s32 $0xDA00  }
0x14f: {  	[tilespmem:s11], [sflag:$0x3] =	stream.indirect_vreg.gather [hbm4b:s2+s3], $0x80, v3, vm0, $0xb8;
	[tilespmem:$0x1E200] =	vst v63  }
0x150: {  	s11 =	simm.s32 $0xE200  }
0x151: {  	[tilespmem:s11], [sflag:$0x3] =	stream.indirect_vreg.gather [hbm4b:s5+s3], $0x80, v3, vm0, $0xb8;
	[tilespmem:$0x1E200] =	vst v63  }
0x152: {  	s11 =	simm.s32 $0xEA00  }
0x153: {  	[tilespmem:s11], [sflag:$0x3] =	stream.indirect_vreg.gather [hbm4b:s6+s3], $0x80, v3, vm0, $0xb8;
	[tilespmem:$0x1E200] =	vst v63  }
0x154: {  	v3 =	vld [tilespmem:$0xF0];
	_ =	sdelay $0x4  }
0x155: {  	v47 =	vshrl.u32 v3, $0x3  }
0x156: {  	v4 =	vmul.u32 $0x30, v47  }
0x157: {  	v3 =	vand.u32 $0x7, v3  }
0x158: {  	v3 =	vor.u32 v3, v4  }
0x159: {  	v4 =	vperm.xlane v3, v0;
	_ =	sdelay $0x1  }
0x15a: {  	v4 =	vadd.s32 v1, v4;
	_ =	sdelay $0x3  }
0x15b: {  	s11 =	simm.s32 $0xF200;
	v3 =	vperm.xlane v3, v2  }
0x15c: {  	[tilespmem:s11], [sflag:$0x3] =	stream.indirect_vreg.gather [hbm4b:s2+s3], $0x80, v4, vm0, $0xb8;
	[tilespmem:$0x1E200] =	vst v63  }
0x15d: {  	v3 =	vadd.s32 v1, v3;
	s11 =	simm.s32 $0xFA00  }
0x15e: {  	[tilespmem:s11], [sflag:$0x3] =	stream.indirect_vreg.gather [hbm4b:s5+s3], $0x80, v4, vm0, $0xb8;
	[tilespmem:$0x1E200] =	vst v63  }
0x15f: {  	s11 =	simm.s32 $0x10200  }
0x160: {  	[tilespmem:s11], [sflag:$0x3] =	stream.indirect_vreg.gather [hbm4b:s6+s3], $0x80, v4, vm0, $0xb8;
	[tilespmem:$0x1E200] =	vst v63  }
0x161: {  	s11 =	simm.s32 $0x10A00  }
0x162: {  	[tilespmem:s11], [sflag:$0x3] =	stream.indirect_vreg.gather [hbm4b:s2+s3], $0x80, v3, vm0, $0xb8;
	[tilespmem:$0x1E200] =	vst v63  }
0x163: {  	s11 =	simm.s32 $0x11200  }
0x164: {  	[tilespmem:s11], [sflag:$0x3] =	stream.indirect_vreg.gather [hbm4b:s5+s3], $0x80, v3, vm0, $0xb8;
	[tilespmem:$0x1E200] =	vst v63  }
0x165: {  	s11 =	simm.s32 $0x11A00  }
0x166: {  	[tilespmem:s11], [sflag:$0x3] =	stream.indirect_vreg.gather [hbm4b:s6+s3], $0x80, v3, vm0, $0xb8;
	[tilespmem:$0x1E200] =	vst v63  }
0x167: {  	_ =	swait.ge [sflag:s30], $0x6000  }
0x168: {  	[sflag:s30] =	ssyncset.done $0x0  }
0x169: {  	s11 =	rddreg [dreg:$0x7];
	[sflag:s30] =	ssyncadd.s32 $0xFFFFA000  }
0x16a: {  	[hbm4b:s11+s3] =	stream.linear.scatter [tilespmem:s0], [sflag:$0x9], $0x6000, $0x38;
	[tilespmem:$0x1E200] =	vst v63  }
0x16b: {  	_ =	swait.ge [sflag:s31], $0x6000  }
0x16c: {  	[sflag:s31] =	ssyncset.done $0x0  }
0x16d: {  	[sflag:s31] =	ssyncadd.s32 $0xFFFFA000  }
0x16e: {  	v3 =	vld [tilespmem:$0x100];
	_ =	sdelay $0x4  }
0x16f: {  	v48 =	vshrl.u32 v3, $0x3  }
0x170: {  	v4 =	vmul.u32 $0x30, v48  }
0x171: {  	v3 =	vand.u32 $0x7, v3  }
0x172: {  	v3 =	vor.u32 v3, v4  }
0x173: {  	v4 =	vperm.xlane v3, v0;
	_ =	sdelay $0x1  }
0x174: {  	v4 =	vadd.s32 v1, v4;
	_ =	sdelay $0x3  }
0x175: {  	v3 =	vperm.xlane v3, v2  }
0x176: {  	[tilespmem:s0], [sflag:$0x4] =	stream.indirect_vreg.gather [hbm4b:s2+s3], $0x80, v4, vm0, $0xb8;
	[tilespmem:$0x1E200] =	vst v63  }
0x177: {  	s11 =	simm.s32 $0x12A00;
	v3 =	vadd.s32 v1, v3  }
0x178: {  	[tilespmem:s11], [sflag:$0x4] =	stream.indirect_vreg.gather [hbm4b:s5+s3], $0x80, v4, vm0, $0xb8;
	[tilespmem:$0x1E200] =	vst v63  }
0x179: {  	s11 =	simm.s32 $0x13200  }
0x17a: {  	[tilespmem:s11], [sflag:$0x4] =	stream.indirect_vreg.gather [hbm4b:s6+s3], $0x80, v4, vm0, $0xb8;
	[tilespmem:$0x1E200] =	vst v63  }
0x17b: {  	s11 =	simm.s32 $0x13A00  }
0x17c: {  	[tilespmem:s11], [sflag:$0x4] =	stream.indirect_vreg.gather [hbm4b:s2+s3], $0x80, v3, vm0, $0xb8;
	[tilespmem:$0x1E200] =	vst v63  }
0x17d: {  	s11 =	simm.s32 $0x14200  }
0x17e: {  	[tilespmem:s11], [sflag:$0x4] =	stream.indirect_vreg.gather [hbm4b:s5+s3], $0x80, v3, vm0, $0xb8;
	[tilespmem:$0x1E200] =	vst v63  }
0x17f: {  	s11 =	simm.s32 $0x14A00  }
0x180: {  	[tilespmem:s11], [sflag:$0x4] =	stream.indirect_vreg.gather [hbm4b:s6+s3], $0x80, v3, vm0, $0xb8;
	[tilespmem:$0x1E200] =	vst v63  }
0x181: {  	v3 =	vld [tilespmem:$0x110];
	_ =	sdelay $0x4  }
0x182: {  	v49 =	vshrl.u32 v3, $0x3  }
0x183: {  	v4 =	vmul.u32 $0x30, v49  }
0x184: {  	v3 =	vand.u32 $0x7, v3  }
0x185: {  	v3 =	vor.u32 v3, v4  }
0x186: {  	v4 =	vperm.xlane v3, v0;
	_ =	sdelay $0x1  }
0x187: {  	v4 =	vadd.s32 v1, v4;
	_ =	sdelay $0x3  }
0x188: {  	s11 =	simm.s32 $0x15200;
	v3 =	vperm.xlane v3, v2  }
0x189: {  	[tilespmem:s11], [sflag:$0x4] =	stream.indirect_vreg.gather [hbm4b:s2+s3], $0x80, v4, vm0, $0xb8;
	[tilespmem:$0x1E200] =	vst v63  }
0x18a: {  	v3 =	vadd.s32 v1, v3;
	s11 =	simm.s32 $0x15A00  }
0x18b: {  	[tilespmem:s11], [sflag:$0x4] =	stream.indirect_vreg.gather [hbm4b:s5+s3], $0x80, v4, vm0, $0xb8;
	[tilespmem:$0x1E200] =	vst v63  }
0x18c: {  	s11 =	simm.s32 $0x16200  }
0x18d: {  	[tilespmem:s11], [sflag:$0x4] =	stream.indirect_vreg.gather [hbm4b:s6+s3], $0x80, v4, vm0, $0xb8;
	[tilespmem:$0x1E200] =	vst v63  }
0x18e: {  	s11 =	simm.s32 $0x16A00  }
0x18f: {  	[tilespmem:s11], [sflag:$0x4] =	stream.indirect_vreg.gather [hbm4b:s2+s3], $0x80, v3, vm0, $0xb8;
	[tilespmem:$0x1E200] =	vst v63  }
0x190: {  	s11 =	simm.s32 $0x17200  }
0x191: {  	[tilespmem:s11], [sflag:$0x4] =	stream.indirect_vreg.gather [hbm4b:s5+s3], $0x80, v3, vm0, $0xb8;
	[tilespmem:$0x1E200] =	vst v63  }
0x192: {  	s11 =	simm.s32 $0x17A00  }
0x193: {  	[tilespmem:s11], [sflag:$0x4] =	stream.indirect_vreg.gather [hbm4b:s6+s3], $0x80, v3, vm0, $0xb8;
	[tilespmem:$0x1E200] =	vst v63  }
0x194: {  	_ =	swait.ge [sflag:s1], $0x6000  }
0x195: {  	[sflag:s1] =	ssyncset.done $0x0  }
0x196: {  	s11 =	rddreg [dreg:$0x8];
	[sflag:s1] =	ssyncadd.s32 $0xFFFFA000  }
0x197: {  	[hbm4b:s11+s3] =	stream.linear.scatter [tilespmem:s8], [sflag:$0xA], $0x6000, $0x38;
	[tilespmem:$0x1E200] =	vst v63  }
0x198: {  	_ =	swait.ge [sflag:s22], $0x6000  }
0x199: {  	[sflag:s22] =	ssyncset.done $0x0  }
0x19a: {  	[sflag:s22] =	ssyncadd.s32 $0xFFFFA000  }
0x19b: {  	v3 =	vld [tilespmem:$0x120];
	_ =	sdelay $0x4  }
0x19c: {  	v50 =	vshrl.u32 v3, $0x3  }
0x19d: {  	v4 =	vmul.u32 $0x30, v50  }
0x19e: {  	v3 =	vand.u32 $0x7, v3  }
0x19f: {  	v3 =	vor.u32 v3, v4  }
0x1a0: {  	v4 =	vperm.xlane v3, v0;
	_ =	sdelay $0x1  }
0x1a1: {  	v4 =	vadd.s32 v1, v4;
	_ =	sdelay $0x3  }
0x1a2: {  	v3 =	vperm.xlane v3, v2  }
0x1a3: {  	[tilespmem:s8], [sflag:$0x5] =	stream.indirect_vreg.gather [hbm4b:s2+s3], $0x80, v4, vm0, $0xb8;
	[tilespmem:$0x1E200] =	vst v63  }
0x1a4: {  	s11 =	simm.s32 $0x18A00;
	v3 =	vadd.s32 v1, v3  }
0x1a5: {  	[tilespmem:s11], [sflag:$0x5] =	stream.indirect_vreg.gather [hbm4b:s5+s3], $0x80, v4, vm0, $0xb8;
	[tilespmem:$0x1E200] =	vst v63  }
0x1a6: {  	s11 =	simm.s32 $0x19200  }
0x1a7: {  	[tilespmem:s11], [sflag:$0x5] =	stream.indirect_vreg.gather [hbm4b:s6+s3], $0x80, v4, vm0, $0xb8;
	[tilespmem:$0x1E200] =	vst v63  }
0x1a8: {  	s11 =	simm.s32 $0x19A00  }
0x1a9: {  	[tilespmem:s11], [sflag:$0x5] =	stream.indirect_vreg.gather [hbm4b:s2+s3], $0x80, v3, vm0, $0xb8;
	[tilespmem:$0x1E200] =	vst v63  }
0x1aa: {  	s11 =	simm.s32 $0x1A200  }
0x1ab: {  	[tilespmem:s11], [sflag:$0x5] =	stream.indirect_vreg.gather [hbm4b:s5+s3], $0x80, v3, vm0, $0xb8;
	[tilespmem:$0x1E200] =	vst v63  }
0x1ac: {  	s11 =	simm.s32 $0x1AA00  }
0x1ad: {  	[tilespmem:s11], [sflag:$0x5] =	stream.indirect_vreg.gather [hbm4b:s6+s3], $0x80, v3, vm0, $0xb8;
	[tilespmem:$0x1E200] =	vst v63  }
0x1ae: {  	v3 =	vld [tilespmem:$0x130];
	_ =	sdelay $0x4  }
0x1af: {  	v51 =	vshrl.u32 v3, $0x3  }
0x1b0: {  	v4 =	vmul.u32 $0x30, v51  }
0x1b1: {  	v3 =	vand.u32 $0x7, v3  }
0x1b2: {  	v3 =	vor.u32 v3, v4  }
0x1b3: {  	v4 =	vperm.xlane v3, v0;
	_ =	sdelay $0x1  }
0x1b4: {  	v4 =	vadd.s32 v1, v4;
	_ =	sdelay $0x3  }
0x1b5: {  	s11 =	simm.s32 $0x1B200;
	v3 =	vperm.xlane v3, v2  }
0x1b6: {  	[tilespmem:s11], [sflag:$0x5] =	stream.indirect_vreg.gather [hbm4b:s2+s3], $0x80, v4, vm0, $0xb8;
	[tilespmem:$0x1E200] =	vst v63  }
0x1b7: {  	v3 =	vadd.s32 v1, v3;
	s11 =	simm.s32 $0x1BA00  }
0x1b8: {  	[tilespmem:s11], [sflag:$0x5] =	stream.indirect_vreg.gather [hbm4b:s5+s3], $0x80, v4, vm0, $0xb8;
	[tilespmem:$0x1E200] =	vst v63  }
0x1b9: {  	s11 =	simm.s32 $0x1C200  }
0x1ba: {  	[tilespmem:s11], [sflag:$0x5] =	stream.indirect_vreg.gather [hbm4b:s6+s3], $0x80, v4, vm0, $0xb8;
	[tilespmem:$0x1E200] =	vst v63  }
0x1bb: {  	s11 =	simm.s32 $0x1CA00  }
0x1bc: {  	[tilespmem:s11], [sflag:$0x5] =	stream.indirect_vreg.gather [hbm4b:s2+s3], $0x80, v3, vm0, $0xb8;
	[tilespmem:$0x1E200] =	vst v63  }
0x1bd: {  	s11 =	simm.s32 $0x1D200  }
0x1be: {  	[tilespmem:s11], [sflag:$0x5] =	stream.indirect_vreg.gather [hbm4b:s5+s3], $0x80, v3, vm0, $0xb8;
	[tilespmem:$0x1E200] =	vst v63  }
0x1bf: {  	s11 =	simm.s32 $0x1DA00  }
0x1c0: {  	[tilespmem:s11], [sflag:$0x5] =	stream.indirect_vreg.gather [hbm4b:s6+s3], $0x80, v3, vm0, $0xb8;
	[tilespmem:$0x1E200] =	vst v63  }
0x1c1: {  	_ =	swait.ge [sflag:s23], $0x6000  }
0x1c2: {  	[sflag:s23] =	ssyncset.done $0x0  }
0x1c3: {  	s11 =	rddreg [dreg:$0x9];
	[sflag:s23] =	ssyncadd.s32 $0xFFFFA000  }
0x1c4: {  	[hbm4b:s11+s3] =	stream.linear.scatter [tilespmem:s19], [sflag:$0x6], $0x6000, $0x38;
	[tilespmem:$0x1E200] =	vst v63  }
0x1c5: {  	_ =	swait.ge [sflag:s24], $0x6000  }
0x1c6: {  	[sflag:s24] =	ssyncset.done $0x0  }
0x1c7: {  	[sflag:s24] =	ssyncadd.s32 $0xFFFFA000  }
0x1c8: {  	v3 =	vld [tilespmem:$0x140];
	_ =	sdelay $0x4  }
0x1c9: {  	v52 =	vshrl.u32 v3, $0x3  }
0x1ca: {  	v4 =	vmul.u32 $0x30, v52  }
0x1cb: {  	v3 =	vand.u32 $0x7, v3  }
0x1cc: {  	v3 =	vor.u32 v3, v4  }
0x1cd: {  	v4 =	vperm.xlane v3, v0;
	_ =	sdelay $0x1  }
0x1ce: {  	v4 =	vadd.s32 v1, v4;
	_ =	sdelay $0x3  }
0x1cf: {  	v3 =	vperm.xlane v3, v2  }
0x1d0: {  	[tilespmem:s19], [sflag:$0x1] =	stream.indirect_vreg.gather [hbm4b:s2+s3], $0x80, v4, vm0, $0xb8;
	[tilespmem:$0x1E200] =	vst v63  }
0x1d1: {  	v3 =	vadd.s32 v1, v3  }
0x1d2: {  	[tilespmem:s9], [sflag:$0x1] =	stream.indirect_vreg.gather [hbm4b:s5+s3], $0x80, v4, vm0, $0xb8;
	[tilespmem:$0x1E200] =	vst v63  }
0x1d3: {  	_ = 	snop  }
0x1d4: {  	[tilespmem:s12], [sflag:$0x1] =	stream.indirect_vreg.gather [hbm4b:s6+s3], $0x80, v4, vm0, $0xb8;
	[tilespmem:$0x1E200] =	vst v63  }
0x1d5: {  	_ = 	snop  }
0x1d6: {  	[tilespmem:s13], [sflag:$0x1] =	stream.indirect_vreg.gather [hbm4b:s2+s3], $0x80, v3, vm0, $0xb8;
	[tilespmem:$0x1E200] =	vst v63  }
0x1d7: {  	_ = 	snop  }
0x1d8: {  	[tilespmem:s14], [sflag:$0x1] =	stream.indirect_vreg.gather [hbm4b:s5+s3], $0x80, v3, vm0, $0xb8;
	[tilespmem:$0x1E200] =	vst v63  }
0x1d9: {  	s11 =	simm.s32 $0x2A00  }
0x1da: {  	[tilespmem:s11], [sflag:$0x1] =	stream.indirect_vreg.gather [hbm4b:s6+s3], $0x80, v3, vm0, $0xb8;
	[tilespmem:$0x1E200] =	vst v63  }
0x1db: {  	v3 =	vld [tilespmem:$0x150];
	_ =	sdelay $0x4  }
0x1dc: {  	v53 =	vshrl.u32 v3, $0x3  }
0x1dd: {  	v4 =	vmul.u32 $0x30, v53  }
0x1de: {  	v3 =	vand.u32 $0x7, v3  }
0x1df: {  	v3 =	vor.u32 v3, v4  }
0x1e0: {  	v4 =	vperm.xlane v3, v0;
	_ =	sdelay $0x1  }
0x1e1: {  	v4 =	vadd.s32 v1, v4;
	_ =	sdelay $0x3  }
0x1e2: {  	s10 =	simm.s32 $0x3200;
	v3 =	vperm.xlane v3, v2  }
0x1e3: {  	[tilespmem:s10], [sflag:$0x1] =	stream.indirect_vreg.gather [hbm4b:s2+s3], $0x80, v4, vm0, $0xb8;
	[tilespmem:$0x1E200] =	vst v63  }
0x1e4: {  	v3 =	vadd.s32 v1, v3  }
0x1e5: {  	[tilespmem:s15], [sflag:$0x1] =	stream.indirect_vreg.gather [hbm4b:s5+s3], $0x80, v4, vm0, $0xb8;
	[tilespmem:$0x1E200] =	vst v63  }
0x1e6: {  	_ = 	snop  }
0x1e7: {  	[tilespmem:s16], [sflag:$0x1] =	stream.indirect_vreg.gather [hbm4b:s6+s3], $0x80, v4, vm0, $0xb8;
	[tilespmem:$0x1E200] =	vst v63  }
0x1e8: {  	_ = 	snop  }
0x1e9: {  	[tilespmem:s17], [sflag:$0x1] =	stream.indirect_vreg.gather [hbm4b:s2+s3], $0x80, v3, vm0, $0xb8;
	[tilespmem:$0x1E200] =	vst v63  }
0x1ea: {  	_ = 	snop  }
0x1eb: {  	[tilespmem:s18], [sflag:$0x1] =	stream.indirect_vreg.gather [hbm4b:s5+s3], $0x80, v3, vm0, $0xb8;
	[tilespmem:$0x1E200] =	vst v63  }
0x1ec: {  	s10 =	simm.s32 $0x5A00  }
0x1ed: {  	[tilespmem:s10], [sflag:$0x1] =	stream.indirect_vreg.gather [hbm4b:s6+s3], $0x80, v3, vm0, $0xb8;
	[tilespmem:$0x1E200] =	vst v63  }
0x1ee: {  	_ =	swait.ge [sflag:s25], $0x6000  }
0x1ef: {  	[sflag:s25] =	ssyncset.done $0x0  }
0x1f0: {  	s10 =	rddreg [dreg:$0xa];
	[sflag:s25] =	ssyncadd.s32 $0xFFFFA000  }
0x1f1: {  	[hbm4b:s10+s3] =	stream.linear.scatter [tilespmem:s4], [sflag:$0x7], $0x6000, $0x38;
	[tilespmem:$0x1E200] =	vst v63  }
0x1f2: {  	_ =	swait.ge [sflag:s26], $0x6000  }
0x1f3: {  	[sflag:s26] =	ssyncset.done $0x0  }
0x1f4: {  	[sflag:s26] =	ssyncadd.s32 $0xFFFFA000  }
0x1f5: {  	v3 =	vld [tilespmem:$0x160];
	_ =	sdelay $0x4  }
0x1f6: {  	v54 =	vshrl.u32 v3, $0x3  }
0x1f7: {  	v4 =	vmul.u32 $0x30, v54  }
0x1f8: {  	v3 =	vand.u32 $0x7, v3  }
0x1f9: {  	v3 =	vor.u32 v3, v4  }
0x1fa: {  	v4 =	vperm.xlane v3, v0;
	_ =	sdelay $0x1  }
0x1fb: {  	v4 =	vadd.s32 v1, v4;
	_ =	sdelay $0x3  }
0x1fc: {  	v3 =	vperm.xlane v3, v2  }
0x1fd: {  	[tilespmem:s4], [sflag:$0x2] =	stream.indirect_vreg.gather [hbm4b:s2+s3], $0x80, v4, vm0, $0xb8;
	[tilespmem:$0x1E200] =	vst v63  }
0x1fe: {  	s10 =	simm.s32 $0x6A00;
	v3 =	vadd.s32 v1, v3  }
0x1ff: {  	[tilespmem:s10], [sflag:$0x2] =	stream.indirect_vreg.gather [hbm4b:s5+s3], $0x80, v4, vm0, $0xb8;
	[tilespmem:$0x1E200] =	vst v63  }
0x200: {  	s10 =	simm.s32 $0x7200  }
0x201: {  	[tilespmem:s10], [sflag:$0x2] =	stream.indirect_vreg.gather [hbm4b:s6+s3], $0x80, v4, vm0, $0xb8;
	[tilespmem:$0x1E200] =	vst v63  }
0x202: {  	s10 =	simm.s32 $0x7A00  }
0x203: {  	[tilespmem:s10], [sflag:$0x2] =	stream.indirect_vreg.gather [hbm4b:s2+s3], $0x80, v3, vm0, $0xb8;
	[tilespmem:$0x1E200] =	vst v63  }
0x204: {  	s10 =	simm.s32 $0x8200  }
0x205: {  	[tilespmem:s10], [sflag:$0x2] =	stream.indirect_vreg.gather [hbm4b:s5+s3], $0x80, v3, vm0, $0xb8;
	[tilespmem:$0x1E200] =	vst v63  }
0x206: {  	s10 =	simm.s32 $0x8A00  }
0x207: {  	[tilespmem:s10], [sflag:$0x2] =	stream.indirect_vreg.gather [hbm4b:s6+s3], $0x80, v3, vm0, $0xb8;
	[tilespmem:$0x1E200] =	vst v63  }
0x208: {  	v3 =	vld [tilespmem:$0x170];
	_ =	sdelay $0x4  }
0x209: {  	v55 =	vshrl.u32 v3, $0x3  }
0x20a: {  	v4 =	vmul.u32 $0x30, v55  }
0x20b: {  	v3 =	vand.u32 $0x7, v3  }
0x20c: {  	v3 =	vor.u32 v3, v4  }
0x20d: {  	v4 =	vperm.xlane v3, v0;
	_ =	sdelay $0x1  }
0x20e: {  	v4 =	vadd.s32 v1, v4;
	_ =	sdelay $0x3  }
0x20f: {  	s21 =	simm.s32 $0x9200;
	v3 =	vperm.xlane v3, v2  }
0x210: {  	[tilespmem:s21], [sflag:$0x2] =	stream.indirect_vreg.gather [hbm4b:s2+s3], $0x80, v4, vm0, $0xb8;
	[tilespmem:$0x1E200] =	vst v63  }
0x211: {  	v3 =	vadd.s32 v1, v3;
	s21 =	simm.s32 $0x9A00  }
0x212: {  	[tilespmem:s21], [sflag:$0x2] =	stream.indirect_vreg.gather [hbm4b:s5+s3], $0x80, v4, vm0, $0xb8;
	[tilespmem:$0x1E200] =	vst v63  }
0x213: {  	s21 =	simm.s32 $0xA200  }
0x214: {  	[tilespmem:s21], [sflag:$0x2] =	stream.indirect_vreg.gather [hbm4b:s6+s3], $0x80, v4, vm0, $0xb8;
	[tilespmem:$0x1E200] =	vst v63  }
0x215: {  	s21 =	simm.s32 $0xAA00  }
0x216: {  	[tilespmem:s21], [sflag:$0x2] =	stream.indirect_vreg.gather [hbm4b:s2+s3], $0x80, v3, vm0, $0xb8;
	[tilespmem:$0x1E200] =	vst v63  }
0x217: {  	s21 =	simm.s32 $0xB200  }
0x218: {  	[tilespmem:s21], [sflag:$0x2] =	stream.indirect_vreg.gather [hbm4b:s5+s3], $0x80, v3, vm0, $0xb8;
	[tilespmem:$0x1E200] =	vst v63  }
0x219: {  	s21 =	simm.s32 $0xBA00  }
0x21a: {  	[tilespmem:s21], [sflag:$0x2] =	stream.indirect_vreg.gather [hbm4b:s6+s3], $0x80, v3, vm0, $0xb8;
	[tilespmem:$0x1E200] =	vst v63  }
0x21b: {  	_ =	swait.ge [sflag:s28], $0x6000  }
0x21c: {  	[sflag:s28] =	ssyncset.done $0x0  }
0x21d: {  	s21 =	rddreg [dreg:$0xb];
	[sflag:s28] =	ssyncadd.s32 $0xFFFFA000  }
0x21e: {  	[hbm4b:s21+s3] =	stream.linear.scatter [tilespmem:s20], [sflag:$0x8], $0x6000, $0x38;
	[tilespmem:$0x1E200] =	vst v63  }
0x21f: {  	_ =	swait.ge [sflag:s29], $0x6000  }
0x220: {  	[sflag:s29] =	ssyncset.done $0x0  }
0x221: {  	[sflag:s29] =	ssyncadd.s32 $0xFFFFA000  }
0x222: {  	v3 =	vld [tilespmem:$0x180];
	_ =	sdelay $0x4  }
0x223: {  	v56 =	vshrl.u32 v3, $0x3  }
0x224: {  	v4 =	vmul.u32 $0x30, v56  }
0x225: {  	v3 =	vand.u32 $0x7, v3  }
0x226: {  	v3 =	vor.u32 v3, v4  }
0x227: {  	v4 =	vperm.xlane v3, v0;
	_ =	sdelay $0x1  }
0x228: {  	v4 =	vadd.s32 v1, v4;
	_ =	sdelay $0x3  }
0x229: {  	v3 =	vperm.xlane v3, v2  }
0x22a: {  	[tilespmem:s20], [sflag:$0x3] =	stream.indirect_vreg.gather [hbm4b:s2+s3], $0x80, v4, vm0, $0xb8;
	[tilespmem:$0x1E200] =	vst v63  }
0x22b: {  	s21 =	simm.s32 $0xCA00;
	v3 =	vadd.s32 v1, v3  }
0x22c: {  	[tilespmem:s21], [sflag:$0x3] =	stream.indirect_vreg.gather [hbm4b:s5+s3], $0x80, v4, vm0, $0xb8;
	[tilespmem:$0x1E200] =	vst v63  }
0x22d: {  	s21 =	simm.s32 $0xD200  }
0x22e: {  	[tilespmem:s21], [sflag:$0x3] =	stream.indirect_vreg.gather [hbm4b:s6+s3], $0x80, v4, vm0, $0xb8;
	[tilespmem:$0x1E200] =	vst v63  }
0x22f: {  	s21 =	simm.s32 $0xDA00  }
0x230: {  	[tilespmem:s21], [sflag:$0x3] =	stream.indirect_vreg.gather [hbm4b:s2+s3], $0x80, v3, vm0, $0xb8;
	[tilespmem:$0x1E200] =	vst v63  }
0x231: {  	s21 =	simm.s32 $0xE200  }
0x232: {  	[tilespmem:s21], [sflag:$0x3] =	stream.indirect_vreg.gather [hbm4b:s5+s3], $0x80, v3, vm0, $0xb8;
	[tilespmem:$0x1E200] =	vst v63  }
0x233: {  	s21 =	simm.s32 $0xEA00  }
0x234: {  	[tilespmem:s21], [sflag:$0x3] =	stream.indirect_vreg.gather [hbm4b:s6+s3], $0x80, v3, vm0, $0xb8;
	[tilespmem:$0x1E200] =	vst v63  }
0x235: {  	v3 =	vld [tilespmem:$0x190];
	_ =	sdelay $0x4  }
0x236: {  	v57 =	vshrl.u32 v3, $0x3  }
0x237: {  	v4 =	vmul.u32 $0x30, v57  }
0x238: {  	v3 =	vand.u32 $0x7, v3  }
0x239: {  	v3 =	vor.u32 v3, v4  }
0x23a: {  	v4 =	vperm.xlane v3, v0;
	_ =	sdelay $0x1  }
0x23b: {  	v4 =	vadd.s32 v1, v4;
	_ =	sdelay $0x3  }
0x23c: {  	s21 =	simm.s32 $0xF200;
	v3 =	vperm.xlane v3, v2  }
0x23d: {  	[tilespmem:s21], [sflag:$0x3] =	stream.indirect_vreg.gather [hbm4b:s2+s3], $0x80, v4, vm0, $0xb8;
	[tilespmem:$0x1E200] =	vst v63  }
0x23e: {  	v3 =	vadd.s32 v1, v3;
	s21 =	simm.s32 $0xFA00  }
0x23f: {  	[tilespmem:s21], [sflag:$0x3] =	stream.indirect_vreg.gather [hbm4b:s5+s3], $0x80, v4, vm0, $0xb8;
	[tilespmem:$0x1E200] =	vst v63  }
0x240: {  	s21 =	simm.s32 $0x10200  }
0x241: {  	[tilespmem:s21], [sflag:$0x3] =	stream.indirect_vreg.gather [hbm4b:s6+s3], $0x80, v4, vm0, $0xb8;
	[tilespmem:$0x1E200] =	vst v63  }
0x242: {  	s21 =	simm.s32 $0x10A00  }
0x243: {  	[tilespmem:s21], [sflag:$0x3] =	stream.indirect_vreg.gather [hbm4b:s2+s3], $0x80, v3, vm0, $0xb8;
	[tilespmem:$0x1E200] =	vst v63  }
0x244: {  	s21 =	simm.s32 $0x11200  }
0x245: {  	[tilespmem:s21], [sflag:$0x3] =	stream.indirect_vreg.gather [hbm4b:s5+s3], $0x80, v3, vm0, $0xb8;
	[tilespmem:$0x1E200] =	vst v63  }
0x246: {  	s21 =	simm.s32 $0x11A00  }
0x247: {  	[tilespmem:s21], [sflag:$0x3] =	stream.indirect_vreg.gather [hbm4b:s6+s3], $0x80, v3, vm0, $0xb8;
	[tilespmem:$0x1E200] =	vst v63  }
0x248: {  	_ =	swait.ge [sflag:s30], $0x6000  }
0x249: {  	[sflag:s30] =	ssyncset.done $0x0  }
0x24a: {  	s21 =	rddreg [dreg:$0xc];
	[sflag:s30] =	ssyncadd.s32 $0xFFFFA000  }
0x24b: {  	[hbm4b:s21+s3] =	stream.linear.scatter [tilespmem:s0], [sflag:$0x9], $0x6000, $0x38;
	[tilespmem:$0x1E200] =	vst v63  }
0x24c: {  	_ =	swait.ge [sflag:s31], $0x6000  }
0x24d: {  	[sflag:s31] =	ssyncset.done $0x0  }
0x24e: {  	[sflag:s31] =	ssyncadd.s32 $0xFFFFA000  }
0x24f: {  	v3 =	vld [tilespmem:$0x1A0];
	_ =	sdelay $0x4  }
0x250: {  	v58 =	vshrl.u32 v3, $0x3  }
0x251: {  	v4 =	vmul.u32 $0x30, v58  }
0x252: {  	v3 =	vand.u32 $0x7, v3  }
0x253: {  	v3 =	vor.u32 v3, v4  }
0x254: {  	v4 =	vperm.xlane v3, v0;
	_ =	sdelay $0x1  }
0x255: {  	v4 =	vadd.s32 v1, v4;
	_ =	sdelay $0x3  }
0x256: {  	v3 =	vperm.xlane v3, v2  }
0x257: {  	[tilespmem:s0], [sflag:$0x4] =	stream.indirect_vreg.gather [hbm4b:s2+s3], $0x80, v4, vm0, $0xb8;
	[tilespmem:$0x1E200] =	vst v63  }
0x258: {  	s21 =	simm.s32 $0x12A00;
	v3 =	vadd.s32 v1, v3  }
0x259: {  	[tilespmem:s21], [sflag:$0x4] =	stream.indirect_vreg.gather [hbm4b:s5+s3], $0x80, v4, vm0, $0xb8;
	[tilespmem:$0x1E200] =	vst v63  }
0x25a: {  	s21 =	simm.s32 $0x13200  }
0x25b: {  	[tilespmem:s21], [sflag:$0x4] =	stream.indirect_vreg.gather [hbm4b:s6+s3], $0x80, v4, vm0, $0xb8;
	[tilespmem:$0x1E200] =	vst v63  }
0x25c: {  	s21 =	simm.s32 $0x13A00  }
0x25d: {  	[tilespmem:s21], [sflag:$0x4] =	stream.indirect_vreg.gather [hbm4b:s2+s3], $0x80, v3, vm0, $0xb8;
	[tilespmem:$0x1E200] =	vst v63  }
0x25e: {  	s21 =	simm.s32 $0x14200  }
0x25f: {  	[tilespmem:s21], [sflag:$0x4] =	stream.indirect_vreg.gather [hbm4b:s5+s3], $0x80, v3, vm0, $0xb8;
	[tilespmem:$0x1E200] =	vst v63  }
0x260: {  	s21 =	simm.s32 $0x14A00  }
0x261: {  	[tilespmem:s21], [sflag:$0x4] =	stream.indirect_vreg.gather [hbm4b:s6+s3], $0x80, v3, vm0, $0xb8;
	[tilespmem:$0x1E200] =	vst v63  }
0x262: {  	v3 =	vld [tilespmem:$0x1B0];
	_ =	sdelay $0x4  }
0x263: {  	v59 =	vshrl.u32 v3, $0x3  }
0x264: {  	v4 =	vmul.u32 $0x30, v59  }
0x265: {  	v3 =	vand.u32 $0x7, v3  }
0x266: {  	v3 =	vor.u32 v3, v4  }
0x267: {  	v4 =	vperm.xlane v3, v0;
	_ =	sdelay $0x1  }
0x268: {  	v4 =	vadd.s32 v1, v4;
	_ =	sdelay $0x3  }
0x269: {  	s21 =	simm.s32 $0x15200;
	v3 =	vperm.xlane v3, v2  }
0x26a: {  	[tilespmem:s21], [sflag:$0x4] =	stream.indirect_vreg.gather [hbm4b:s2+s3], $0x80, v4, vm0, $0xb8;
	[tilespmem:$0x1E200] =	vst v63  }
0x26b: {  	v3 =	vadd.s32 v1, v3;
	s21 =	simm.s32 $0x15A00  }
0x26c: {  	[tilespmem:s21], [sflag:$0x4] =	stream.indirect_vreg.gather [hbm4b:s5+s3], $0x80, v4, vm0, $0xb8;
	[tilespmem:$0x1E200] =	vst v63  }
0x26d: {  	s21 =	simm.s32 $0x16200  }
0x26e: {  	[tilespmem:s21], [sflag:$0x4] =	stream.indirect_vreg.gather [hbm4b:s6+s3], $0x80, v4, vm0, $0xb8;
	[tilespmem:$0x1E200] =	vst v63  }
0x26f: {  	s21 =	simm.s32 $0x16A00  }
0x270: {  	[tilespmem:s21], [sflag:$0x4] =	stream.indirect_vreg.gather [hbm4b:s2+s3], $0x80, v3, vm0, $0xb8;
	[tilespmem:$0x1E200] =	vst v63  }
0x271: {  	s21 =	simm.s32 $0x17200  }
0x272: {  	[tilespmem:s21], [sflag:$0x4] =	stream.indirect_vreg.gather [hbm4b:s5+s3], $0x80, v3, vm0, $0xb8;
	[tilespmem:$0x1E200] =	vst v63  }
0x273: {  	s21 =	simm.s32 $0x17A00  }
0x274: {  	[tilespmem:s21], [sflag:$0x4] =	stream.indirect_vreg.gather [hbm4b:s6+s3], $0x80, v3, vm0, $0xb8;
	[tilespmem:$0x1E200] =	vst v63  }
0x275: {  	_ =	swait.ge [sflag:s1], $0x6000  }
0x276: {  	[sflag:s1] =	ssyncset.done $0x0  }
0x277: {  	s21 =	rddreg [dreg:$0xd];
	[sflag:s1] =	ssyncadd.s32 $0xFFFFA000  }
0x278: {  	[hbm4b:s21+s3] =	stream.linear.scatter [tilespmem:s8], [sflag:$0xA], $0x6000, $0x38;
	[tilespmem:$0x1E200] =	vst v63  }
0x279: {  	_ =	swait.ge [sflag:s22], $0x6000  }
0x27a: {  	[sflag:s22] =	ssyncset.done $0x0  }
0x27b: {  	[sflag:s22] =	ssyncadd.s32 $0xFFFFA000  }
0x27c: {  	v3 =	vld [tilespmem:$0x1C0];
	_ =	sdelay $0x4  }
0x27d: {  	v60 =	vshrl.u32 v3, $0x3  }
0x27e: {  	v4 =	vmul.u32 $0x30, v60  }
0x27f: {  	v3 =	vand.u32 $0x7, v3  }
0x280: {  	v3 =	vor.u32 v3, v4  }
0x281: {  	v4 =	vperm.xlane v3, v0;
	_ =	sdelay $0x1  }
0x282: {  	v4 =	vadd.s32 v1, v4;
	_ =	sdelay $0x3  }
0x283: {  	v3 =	vperm.xlane v3, v2  }
0x284: {  	[tilespmem:s8], [sflag:$0x5] =	stream.indirect_vreg.gather [hbm4b:s2+s3], $0x80, v4, vm0, $0xb8;
	[tilespmem:$0x1E200] =	vst v63  }
0x285: {  	s21 =	simm.s32 $0x18A00;
	v3 =	vadd.s32 v1, v3  }
0x286: {  	[tilespmem:s21], [sflag:$0x5] =	stream.indirect_vreg.gather [hbm4b:s5+s3], $0x80, v4, vm0, $0xb8;
	[tilespmem:$0x1E200] =	vst v63  }
0x287: {  	s21 =	simm.s32 $0x19200  }
0x288: {  	[tilespmem:s21], [sflag:$0x5] =	stream.indirect_vreg.gather [hbm4b:s6+s3], $0x80, v4, vm0, $0xb8;
	[tilespmem:$0x1E200] =	vst v63  }
0x289: {  	s21 =	simm.s32 $0x19A00  }
0x28a: {  	[tilespmem:s21], [sflag:$0x5] =	stream.indirect_vreg.gather [hbm4b:s2+s3], $0x80, v3, vm0, $0xb8;
	[tilespmem:$0x1E200] =	vst v63  }
0x28b: {  	s21 =	simm.s32 $0x1A200  }
0x28c: {  	[tilespmem:s21], [sflag:$0x5] =	stream.indirect_vreg.gather [hbm4b:s5+s3], $0x80, v3, vm0, $0xb8;
	[tilespmem:$0x1E200] =	vst v63  }
0x28d: {  	s21 =	simm.s32 $0x1AA00  }
0x28e: {  	[tilespmem:s21], [sflag:$0x5] =	stream.indirect_vreg.gather [hbm4b:s6+s3], $0x80, v3, vm0, $0xb8;
	[tilespmem:$0x1E200] =	vst v63  }
0x28f: {  	v3 =	vld [tilespmem:$0x1D0];
	_ =	sdelay $0x4  }
0x290: {  	v61 =	vshrl.u32 v3, $0x3  }
0x291: {  	v4 =	vmul.u32 $0x30, v61  }
0x292: {  	v3 =	vand.u32 $0x7, v3  }
0x293: {  	v3 =	vor.u32 v3, v4  }
0x294: {  	v4 =	vperm.xlane v3, v0;
	_ =	sdelay $0x1  }
0x295: {  	v4 =	vadd.s32 v1, v4;
	_ =	sdelay $0x3  }
0x296: {  	s21 =	simm.s32 $0x1B200;
	v3 =	vperm.xlane v3, v2  }
0x297: {  	[tilespmem:s21], [sflag:$0x5] =	stream.indirect_vreg.gather [hbm4b:s2+s3], $0x80, v4, vm0, $0xb8;
	[tilespmem:$0x1E200] =	vst v63  }
0x298: {  	v3 =	vadd.s32 v1, v3;
	s21 =	simm.s32 $0x1BA00  }
0x299: {  	[tilespmem:s21], [sflag:$0x5] =	stream.indirect_vreg.gather [hbm4b:s5+s3], $0x80, v4, vm0, $0xb8;
	[tilespmem:$0x1E200] =	vst v63  }
0x29a: {  	s21 =	simm.s32 $0x1C200  }
0x29b: {  	[tilespmem:s21], [sflag:$0x5] =	stream.indirect_vreg.gather [hbm4b:s6+s3], $0x80, v4, vm0, $0xb8;
	[tilespmem:$0x1E200] =	vst v63  }
0x29c: {  	s21 =	simm.s32 $0x1CA00  }
0x29d: {  	[tilespmem:s21], [sflag:$0x5] =	stream.indirect_vreg.gather [hbm4b:s2+s3], $0x80, v3, vm0, $0xb8;
	[tilespmem:$0x1E200] =	vst v63  }
0x29e: {  	s21 =	simm.s32 $0x1D200  }
0x29f: {  	[tilespmem:s21], [sflag:$0x5] =	stream.indirect_vreg.gather [hbm4b:s5+s3], $0x80, v3, vm0, $0xb8;
	[tilespmem:$0x1E200] =	vst v63  }
0x2a0: {  	s21 =	simm.s32 $0x1DA00  }
0x2a1: {  	[tilespmem:s21], [sflag:$0x5] =	stream.indirect_vreg.gather [hbm4b:s6+s3], $0x80, v3, vm0, $0xb8;
	[tilespmem:$0x1E200] =	vst v63  }
0x2a2: {  	_ =	swait.ge [sflag:s23], $0x6000  }
0x2a3: {  	[sflag:s23] =	ssyncset.done $0x0  }
0x2a4: {  	s21 =	rddreg [dreg:$0xe];
	[sflag:s23] =	ssyncadd.s32 $0xFFFFA000  }
0x2a5: {  	[hbm4b:s21+s3] =	stream.linear.scatter [tilespmem:s19], [sflag:$0x6], $0x6000, $0x38;
	[tilespmem:$0x1E200] =	vst v63  }
0x2a6: {  	_ =	swait.ge [sflag:s24], $0x6000  }
0x2a7: {  	[sflag:s24] =	ssyncset.done $0x0  }
0x2a8: {  	[sflag:s24] =	ssyncadd.s32 $0xFFFFA000  }
0x2a9: {  	v3 =	vld [tilespmem:$0x1E0];
	_ =	sdelay $0x4  }
0x2aa: {  	v62 =	vshrl.u32 v3, $0x3  }
0x2ab: {  	v4 =	vmul.u32 $0x30, v62  }
0x2ac: {  	v3 =	vand.u32 $0x7, v3  }
0x2ad: {  	v3 =	vor.u32 v3, v4  }
0x2ae: {  	v4 =	vperm.xlane v3, v0;
	_ =	sdelay $0x1  }
0x2af: {  	v4 =	vadd.s32 v1, v4;
	_ =	sdelay $0x3  }
0x2b0: {  	v3 =	vperm.xlane v3, v2  }
0x2b1: {  	[tilespmem:s19], [sflag:$0x1] =	stream.indirect_vreg.gather [hbm4b:s2+s3], $0x80, v4, vm0, $0xb8;
	[tilespmem:$0x1E200] =	vst v63  }
0x2b2: {  	s9 =	simm.s32 $0xA00;
	v3 =	vadd.s32 v1, v3  }
0x2b3: {  	[tilespmem:s9], [sflag:$0x1] =	stream.indirect_vreg.gather [hbm4b:s5+s3], $0x80, v4, vm0, $0xb8;
	[tilespmem:$0x1E200] =	vst v63  }
0x2b4: {  	s12 =	simm.s32 $0x1200  }
0x2b5: {  	[tilespmem:s12], [sflag:$0x1] =	stream.indirect_vreg.gather [hbm4b:s6+s3], $0x80, v4, vm0, $0xb8;
	[tilespmem:$0x1E200] =	vst v63  }
0x2b6: {  	s13 =	simm.s32 $0x1A00  }
0x2b7: {  	[tilespmem:s13], [sflag:$0x1] =	stream.indirect_vreg.gather [hbm4b:s2+s3], $0x80, v3, vm0, $0xb8;
	[tilespmem:$0x1E200] =	vst v63  }
0x2b8: {  	s14 =	simm.s32 $0x2200  }
0x2b9: {  	[tilespmem:s14], [sflag:$0x1] =	stream.indirect_vreg.gather [hbm4b:s5+s3], $0x80, v3, vm0, $0xb8;
	[tilespmem:$0x1E200] =	vst v63  }
0x2ba: {  	s11 =	simm.s32 $0x2A00  }
0x2bb: {  	[tilespmem:s11], [sflag:$0x1] =	stream.indirect_vreg.gather [hbm4b:s6+s3], $0x80, v3, vm0, $0xb8;
	[tilespmem:$0x1E200] =	vst v63  }
0x2bc: {  	v3 =	vld [tilespmem:$0x1F0];
	_ =	sdelay $0x4  }
0x2bd: {  	v63 =	vshrl.u32 v3, $0x3  }
0x2be: {  	v4 =	vmul.u32 $0x30, v63  }
0x2bf: {  	v3 =	vand.u32 $0x7, v3  }
0x2c0: {  	v3 =	vor.u32 v3, v4  }
0x2c1: {  	v4 =	vperm.xlane v3, v0;
	_ =	sdelay $0x1  }
0x2c2: {  	v4 =	vadd.s32 v1, v4;
	_ =	sdelay $0x3  }
0x2c3: {  	s13 =	simm.s32 $0x3200;
	v3 =	vperm.xlane v3, v2  }
0x2c4: {  	[tilespmem:s13], [sflag:$0x1] =	stream.indirect_vreg.gather [hbm4b:s2+s3], $0x80, v4, vm0, $0xb8;
	[tilespmem:$0x1E200] =	vst v63  }
0x2c5: {  	s15 =	simm.s32 $0x3A00;
	v3 =	vadd.s32 v1, v3  }
0x2c6: {  	[tilespmem:s15], [sflag:$0x1] =	stream.indirect_vreg.gather [hbm4b:s5+s3], $0x80, v4, vm0, $0xb8;
	[tilespmem:$0x1E200] =	vst v63  }
0x2c7: {  	s16 =	simm.s32 $0x4200  }
0x2c8: {  	[tilespmem:s16], [sflag:$0x1] =	stream.indirect_vreg.gather [hbm4b:s6+s3], $0x80, v4, vm0, $0xb8;
	[tilespmem:$0x1E200] =	vst v63  }
0x2c9: {  	s17 =	simm.s32 $0x4A00  }
0x2ca: {  	[tilespmem:s17], [sflag:$0x1] =	stream.indirect_vreg.gather [hbm4b:s2+s3], $0x80, v3, vm0, $0xb8;
	[tilespmem:$0x1E200] =	vst v63  }
0x2cb: {  	s18 =	simm.s32 $0x5200  }
0x2cc: {  	[tilespmem:s18], [sflag:$0x1] =	stream.indirect_vreg.gather [hbm4b:s5+s3], $0x80, v3, vm0, $0xb8;
	[tilespmem:$0x1E200] =	vst v63  }
0x2cd: {  	s14 =	simm.s32 $0x5A00  }
0x2ce: {  	[tilespmem:s14], [sflag:$0x1] =	stream.indirect_vreg.gather [hbm4b:s6+s3], $0x80, v3, vm0, $0xb8;
	[tilespmem:$0x1E200] =	vst v63  }
0x2cf: {  	_ =	swait.ge [sflag:s25], $0x6000  }
0x2d0: {  	[sflag:s25] =	ssyncset.done $0x0  }
0x2d1: {  	s15 =	rddreg [dreg:$0xf];
	[sflag:s25] =	ssyncadd.s32 $0xFFFFA000  }
0x2d2: {  	[hbm4b:s15+s3] =	stream.linear.scatter [tilespmem:s4], [sflag:$0x7], $0x6000, $0x38;
	[tilespmem:$0x1E200] =	vst v63  }
0x2d3: {  	_ =	swait.ge [sflag:s28], $0x6000  }
0x2d4: {  	[sflag:s28] =	ssyncset.done $0x0  }
0x2d5: {  	s16 =	rddreg [dreg:$0x10];
	[sflag:s28] =	ssyncadd.s32 $0xFFFFA000  }
0x2d6: {  	[hbm4b:s16+s3] =	stream.linear.scatter [tilespmem:s20], [sflag:$0x8], $0x6000, $0x38;
	[tilespmem:$0x1E200] =	vst v63  }
0x2d7: {  	_ =	swait.ge [sflag:s30], $0x6000  }
0x2d8: {  	[sflag:s30] =	ssyncset.done $0x0  }
0x2d9: {  	s17 =	rddreg [dreg:$0x11];
	[sflag:s30] =	ssyncadd.s32 $0xFFFFA000  }
0x2da: {  	[hbm4b:s17+s3] =	stream.linear.scatter [tilespmem:s0], [sflag:$0x9], $0x6000, $0x38;
	[tilespmem:$0x1E200] =	vst v63  }
0x2db: {  	_ =	swait.ge [sflag:s1], $0x6000  }
0x2dc: {  	[sflag:s1] =	ssyncset.done $0x0  }
0x2dd: {  	s18 =	rddreg [dreg:$0x12];
	[sflag:s1] =	ssyncadd.s32 $0xFFFFA000  }
0x2de: {  	[hbm4b:s18+s3] =	stream.linear.scatter [tilespmem:s8], [sflag:$0xA], $0x6000, $0x38;
	[tilespmem:$0x1E200] =	vst v63  }
0x2df: {  	_ =	swait.ge [sflag:s23], $0x6000  }
0x2e0: {  	[sflag:s23] =	ssyncset.done $0x0  }
0x2e1: {  	s21 =	rddreg [dreg:$0x13];
	[sflag:s23] =	ssyncadd.s32 $0xFFFFA000  }
0x2e2: {  	[hbm4b:s21+s3] =	stream.linear.scatter [tilespmem:s19], [sflag:$0x6], $0x6000, $0x38;
	[tilespmem:$0x1E200] =	vst v63  }
0x2e3: {  	_ =	swait.ge [sflag:s26], $0x6000  }
0x2e4: {  	[sflag:s26] =	ssyncset.done $0x0  }
0x2e5: {  	[sflag:s26] =	ssyncadd.s32 $0xFFFFA000  }
0x2e6: {  	_ =	swait.ge [sflag:s29], $0x6000  }
0x2e7: {  	[sflag:s29] =	ssyncset.done $0x0  }
0x2e8: {  	[sflag:s29] =	ssyncadd.s32 $0xFFFFA000  }
0x2e9: {  	_ =	swait.ge [sflag:s31], $0x6000  }
0x2ea: {  	[sflag:s31] =	ssyncset.done $0x0  }
0x2eb: {  	[sflag:s31] =	ssyncadd.s32 $0xFFFFA000  }
0x2ec: {  	p0 =	sne.s32 s7, $0x1;
	_ =	swait.ge [sflag:s22], $0x6000  }
.Ltmp0:
0x2ed: {  	[sflag:s22] =	ssyncset.done $0x0;
	(pc) =	sbr.rel @p0 .LBB2_1-.Ltmp0, $4  }
0x2ee: {  	[sflag:s22] =	ssyncadd.s32 $0xFFFFA000  }
0x2ef: {  	_ =	swait.ge [sflag:s24], $0x6000  }
0x2f0: {  	[sflag:s24] =	ssyncset.done $0x0  }
0x2f1: {  	s7 =	sadd.s32 $0xFFFFFFFF, s7;
	[sflag:s24] =	ssyncadd.s32 $0xFFFFA000  }
0x2f2: {  	_ =	sfence.sel $0x180000  }
0x2f3: {  	[bflag:$0x0] =	sbarrier.arrive $0xFFFF  }
0x2f4: {  	_ =	strace $0x90000047  }
0x2f5: {  	s0 =	stileid.u32;
	[bflag:$0x2] =	sbarrier.arrive $0xFFFF  }
0x2f6: {  	p0 =	sne.s32 s0, $0x0;
	s0 =	rddreg [dreg:$0x3]  }
0x2f7: {  	s0 =	sadd.s32 @!p0 $0x100000, s0  }
0x2f8: {  	[sflag:s0] =	ssyncadd.tile.s32 @!p0 $0x1;
	_ =	shalt  }
.Lfunc_end2:
_tile_overlayer_lowered:
.L_overlay_start_2:
0x2f9: {  	(tag) =	ssettag $0x2  }
0x2fa: {  	s0 =	rddreg [dreg:$0x0];
	s2 =	stileid.u32  }
0x2fb: {  	s1 =	rddreg [dreg:$0x1];
	p0 =	sne.s32 s2, $0x0  }
0x2fc: {  	s3 =	rddreg [dreg:$0x2];
	[bflag:$0x3] =	sbarrier.arrive $0xFFFF;
	s2 =	simm.s32 @!p0 $0x1C0B  }
0x2fd: {  	[timem:s3], [sflag:s2] =	dma.local @!p0 [hbm:s0], s1  }
0x2fe: {  	s0 =	simm.s32 @!p0 $0xB  }
0x2ff: {  	_ =	swait.ge @!p0 [sflag:s0], s1  }
0x300: {  	s1 =	ssub.s32 @!p0 $0x0, s1;
	[sflag:s0] =	ssyncset.done @!p0 $0x0  }
0x301: {  	[sflag:s0] =	ssyncadd.s32 @!p0 s1  }
0x302: {  	[bflag:$0x3] =	sbarrier.arrive $0xFFFF  }
0x303: {  	_ =	shalt  }

</sc_bundles>
